<compile_context>
chip_gen: v7x
topology: tpu7x:2x2x1
jax: 0.10.2.dev20260603
libtpu: 0.0.44.dev20260713+nightly
codegen_flags: <defaults>
</compile_context>

<pallas_src>
import functools

import jax
import jax.numpy as jnp
from jax import lax
from jax.experimental import pallas as pl
from jax.experimental.pallas import tpu as pltpu
from jax.experimental.pallas import tpu_sc as plsc

_N = 100000
_E = 3200000
_D_EDGE = 16
_LANE = 128
_R = _E // _LANE
_OCT = _R // 8
_NC = 2
_NS = 16
_NW = _NC * _NS
_OCT_PER_W = _OCT // _NW
_EXTRA = _OCT - _OCT_PER_W * _NW
_CH = 8
_CH_E = _CH * _LANE
_NPAD = 100096
_NPT = _NPAD // _NS


def _extract_body(ei_ref, out_ref):
    out_ref[...] = ei_ref[1, :].reshape(out_ref.shape)


def _extract_col(edge_index):
    nblk = 25
    be = _E // nblk
    br = be // _LANE
    return pl.pallas_call(
        _extract_body,
        grid=(nblk,),
        in_specs=[pl.BlockSpec((2, be), lambda i: (0, i))],
        out_specs=pl.BlockSpec((br, _LANE), lambda i: (i, 0)),
        out_shape=jax.ShapeDtypeStruct((_R, _LANE), jnp.int32),
    )(edge_index)


def _seg_sum_body(col_hbm, ea_hbm, out0_hbm, out1_hbm,
                  idx_buf, rbuf, acc, sem_ld, sem_sc):
    cid = lax.axis_index("c")
    sid = lax.axis_index("s")
    wid = cid * _NS + sid

    def _zero_row(i, _):
        rbuf[i, :] = jnp.zeros((_D_EDGE,), jnp.float32)
        return 0

    lax.fori_loop(0, _CH_E, _zero_row, 0)
    base_n = sid * _NPT
    for k in range(6):
        pltpu.sync_copy(rbuf, acc.at[pl.ds(base_n + k * _CH_E, _CH_E)])
    rem0 = _NPT - 6 * _CH_E
    pltpu.sync_copy(rbuf.at[pl.ds(0, rem0)],
                    acc.at[pl.ds(base_n + 6 * _CH_E, rem0)])
    plsc.subcore_barrier()

    base_row = (wid * _OCT_PER_W + jnp.minimum(wid, _EXTRA)) * _CH
    nchunks = _OCT_PER_W + jnp.where(wid < _EXTRA, 1, 0)

    def _chunk(i, _):
        row0 = base_row + i * _CH
        ld0 = pltpu.async_copy(col_hbm.at[pl.ds(row0, _CH)], idx_buf, sem_ld)
        ld1 = pltpu.async_copy(ea_hbm.at[pl.ds(row0 * _LANE, _CH_E)], rbuf,
                               sem_ld)
        ld0.wait()
        ld1.wait()
        scs = [pltpu.async_copy(rbuf.at[pl.ds(j * _LANE, _LANE)],
                                acc.at[idx_buf.at[j]], sem_sc, add=True)
               for j in range(_CH)]
        for d in scs:
            d.wait()
        return 0

    lax.fori_loop(0, nchunks, _chunk, 0)
    plsc.subcore_barrier()

    @pl.when(cid == 0)
    def _():
        pltpu.sync_copy(acc.at[pl.ds(base_n, _NPT)],
                        out0_hbm.at[pl.ds(base_n, _NPT)])

    @pl.when(cid == 1)
    def _():
        pltpu.sync_copy(acc.at[pl.ds(base_n, _NPT)],
                        out1_hbm.at[pl.ds(base_n, _NPT)])


_seg_sum = pl.kernel(
    _seg_sum_body,
    out_type=(jax.ShapeDtypeStruct((_NPAD, _D_EDGE), jnp.float32),
              jax.ShapeDtypeStruct((_NPAD, _D_EDGE), jnp.float32)),
    mesh=plsc.VectorSubcoreMesh(core_axis_name="c", subcore_axis_name="s"),
    compiler_params=pltpu.CompilerParams(use_tc_tiling_on_sc=False),
    scratch_types=[
        pltpu.VMEM((_CH, _LANE), jnp.int32),
        pltpu.VMEM((_CH_E, _D_EDGE), jnp.float32),
        pltpu.VMEM_SHARED((_NPAD, _D_EDGE), jnp.float32),
        pltpu.SemaphoreType.DMA,
        pltpu.SemaphoreType.DMA,
    ],
)


_BN = 2048


def _mlp_body(x_ref, p0_ref, p1_ref, g_ref, w1x_ref, w1a_ref, w1g_ref,
              b1_ref, w2_ref, b2_ref, w3_ref, b3_ref, w4_ref, b4_ref,
              out_ref):
    aggw = p0_ref[...] + p1_ref[...]
    bn8 = aggw.shape[0]
    aggc = jnp.dot(aggw, w1a_ref[...], preferred_element_type=jnp.float32)
    aggc = aggc.reshape(bn8, 8, 128).reshape(bn8 * 8, 128)
    c = (jnp.dot(g_ref[...], w1g_ref[...], preferred_element_type=jnp.float32)
         + b1_ref[...])
    h = (jnp.dot(x_ref[...], w1x_ref[...], preferred_element_type=jnp.float32)
         + aggc + c)
    h = jnp.maximum(h, 0.0)
    h = jnp.dot(h, w2_ref[...], preferred_element_type=jnp.float32) + b2_ref[...]
    h = jnp.maximum(h, 0.0)
    h = jnp.dot(h, w3_ref[...], preferred_element_type=jnp.float32) + b3_ref[...]
    h = jnp.maximum(h, 0.0)
    out_ref[...] = (jnp.dot(h, w4_ref[...], preferred_element_type=jnp.float32)
                    + b4_ref[...])


def _row_block(i):
    return (i, 0)


def _whole(i):
    return (0, 0)


@functools.partial(jax.jit, static_argnums=())
def kernel(x, edge_index, edge_attr, global_attr,
           W1, b1, W2, b2, W3, b3, W4, b4):
    col2d = _extract_col(edge_index)
    p0, p1 = _seg_sum(col2d, edge_attr)

    d_node = x.shape[1]
    w1x = W1[:, :d_node].T
    w1a = jnp.kron(jnp.eye(8, dtype=jnp.float32),
                   W1[:, d_node:d_node + _D_EDGE].T)
    w1g = W1[:, d_node + _D_EDGE:].T
    p0w = p0.reshape(_NPAD * _D_EDGE // _LANE, _LANE)
    p1w = p1.reshape(_NPAD * _D_EDGE // _LANE, _LANE)

    grid = ((_N + _BN - 1) // _BN,)
    out = pl.pallas_call(
        _mlp_body,
        grid=grid,
        in_specs=[
            pl.BlockSpec((_BN, d_node), _row_block),
            pl.BlockSpec((_BN // 8, _LANE), _row_block),
            pl.BlockSpec((_BN // 8, _LANE), _row_block),
            pl.BlockSpec(global_attr.shape, _whole),
            pl.BlockSpec(w1x.shape, _whole),
            pl.BlockSpec(w1a.shape, _whole),
            pl.BlockSpec(w1g.shape, _whole),
            pl.BlockSpec((1, b1.shape[0]), _whole),
            pl.BlockSpec(W2.shape, _whole),
            pl.BlockSpec((1, b2.shape[0]), _whole),
            pl.BlockSpec(W3.shape, _whole),
            pl.BlockSpec((1, b3.shape[0]), _whole),
            pl.BlockSpec(W4.shape, _whole),
            pl.BlockSpec((1, b4.shape[0]), _whole),
        ],
        out_specs=pl.BlockSpec((_BN, W4.shape[0]), _row_block),
        out_shape=jax.ShapeDtypeStruct((_N, W4.shape[0]), jnp.float32),
    )(x, p0w, p1w, global_attr, w1x, w1a, w1g, b1.reshape(1, -1),
      W2.T, b2.reshape(1, -1), W3.T, b3.reshape(1, -1), W4.T,
      b4.reshape(1, -1))
    return out

# --- scband reference (transcript-rebuilt; emitter-appended) ---
"""Pipeline reference for scband-node-model-gn-25598005084724 (READ-ONLY COPY).

The authoritative reference and input builder live on the scoring server;
editing this copy changes nothing except your own understanding.
"""

import jax, jax.numpy as jnp
import numpy as np

N = 100000
E = 3200000
D_NODE = 128
D_EDGE = 16
D_GLOBAL = 16
LATENT = 128
D_OUT = 128
D_IN = D_NODE + D_EDGE + D_GLOBAL


def _linear_params(key, fan_out, fan_in):
    kw, kb = jax.random.split(key)
    bound = 1.0 / np.sqrt(fan_in)
    W = jax.random.uniform(kw, (fan_out, fan_in), dtype=jnp.float32, minval=-bound, maxval=bound)
    b = jax.random.uniform(kb, (fan_out,), dtype=jnp.float32, minval=-bound, maxval=bound)
    return W, b


def setup_inputs(seed: int = 0) -> dict:
    key = jax.random.key(seed)
    ks = jax.random.split(key, 8)
    x = jax.random.normal(ks[0], (N, D_NODE), dtype=jnp.float32)
    edge_index = jax.random.randint(ks[1], (2, E), 0, N, dtype=jnp.int32)
    edge_attr = jax.random.normal(ks[2], (E, D_EDGE), dtype=jnp.float32)
    global_attr = jax.random.normal(ks[3], (1, D_GLOBAL), dtype=jnp.float32)
    W1, b1 = _linear_params(ks[4], LATENT, D_IN)
    W2, b2 = _linear_params(ks[5], LATENT, LATENT)
    W3, b3 = _linear_params(ks[6], LATENT, LATENT)
    W4, b4 = _linear_params(ks[7], D_OUT, LATENT)
    return {"x": x, "edge_index": edge_index, "edge_attr": edge_attr, "global_attr": global_attr,
            "W1": W1, "b1": b1, "W2": W2, "b2": b2, "W3": W3, "b3": b3, "W4": W4, "b4": b4}


def reference(x, edge_index, edge_attr, global_attr, W1, b1, W2, b2, W3, b3, W4, b4):
    # agg_func = scatter_sum over destination nodes (col = edge_index[1])
    col = edge_index[1]
    edge_attr_agg = jax.ops.segment_sum(edge_attr, col, num_segments=x.shape[0])
    # pad_to_size(global_attr, N, mode='repeat') -> tile blocks
    n_repeats = x.shape[0] // global_attr.shape[0]
    g = jnp.tile(global_attr, (n_repeats, 1))
    h = jnp.concatenate([x, edge_attr_agg, g], axis=1)
    h = jax.nn.relu(h @ W1.T + b1)
    h = jax.nn.relu(h @ W2.T + b2)
    h = jax.nn.relu(h @ W3.T + b3)
    out = h @ W4.T + b4
    return out

if __name__ == "__main__":
    import jax
    _d = setup_inputs()
    print(jax.jit(kernel)(*tuple(_d.values())))

</pallas_src>

<mosaic_0001>
#map = affine_map<(d0, d1) -> (0, 0)>
module attributes {stable_mosaic.version = 14 : i64} {
  func.func @_seg_sum_body(%arg0: i32, %arg1: i32, %arg2: memref<25000x128xi32, #tpu.memory_space<hbm>>, %arg3: memref<3200000x16xf32, #tpu.memory_space<hbm>>, %arg4: memref<100096x16xf32, #tpu.memory_space<hbm>>, %arg5: memref<100096x16xf32, #tpu.memory_space<hbm>>, %arg6: memref<8x128xi32, #tpu.memory_space<vmem>>, %arg7: memref<1024x16xf32, #tpu.memory_space<vmem>>, %arg8: memref<100096x16xf32, #tpu.memory_space<vmem_shared>>, %arg9: memref<!tpu.dma_semaphore, #tpu.memory_space<semaphore_mem>>, %arg10: memref<!tpu.dma_semaphore, #tpu.memory_space<semaphore_mem>>) attributes {dimension_semantics = [#tpu.dimension_semantics<core_parallel>, #tpu.dimension_semantics<subcore_parallel>], iteration_bounds = array<i64: 2, 16>, scalar_prefetch = 0 : i64, scratch_operands = 5 : i64, tpu.core_type = #tpu.core_type<sc_vector_subcore>, window_params = [{transform_indices = #map}, {transform_indices = #map}, {transform_indices = #map}, {transform_indices = #map}]} {
    %mul3A = arith.constant 16 : i32
    %mul3A_0 = arith.muli %arg0, %mul3A : i32
    %add3A = arith.addi %mul3A_0, %arg1 : i32
    %scan3A = arith.constant 0 : i32
    %scan3A_1 = arith.constant 0 : i32
    %scan3A_2 = arith.constant 1024 : i32
    %scan3A_3 = arith.addi %scan3A_1, %scan3A_2 : i32
    %scan3A_4 = arith.constant 1 : i32
    %scan3A_5 = scf.for %scan3A_52 = %scan3A_1 to %scan3A_3 step %scan3A_4 iter_args(%scan3A_53 = %scan3A) -> (i32)  : i32 {
      %broadcast_in_dim3A = arith.constant 0.000000e+00 : f32
      %broadcast_in_dim3A_54 = vector.broadcast %broadcast_in_dim3A : f32 to vector<16xf32>
      %swap3A = arith.index_cast %scan3A_52 : i32 to index
      %swap3A_55 = arith.constant 0 : index
      %swap3A_56 = tpu.vector_load %arg7[%swap3A, %swap3A_55] {strides = array<i32>} : memref<1024x16xf32, #tpu.memory_space<vmem>>, vector<1x16xf32>,
      %swap3A_57 = vector.shape_cast %swap3A_56 : vector<1x16xf32> to vector<16xf32>
      %swap3A_58 = vector.shape_cast %broadcast_in_dim3A_54 : vector<16xf32> to vector<1x16xf32>
      tpu.vector_store %arg7[%swap3A, %swap3A_55], %swap3A_58 {strides = array<i32>} : memref<1024x16xf32, #tpu.memory_space<vmem>>, vector<1x16xf32>,
      %scan3A_59 = arith.constant 0 : i32
      scf.yield %scan3A_59 : i32
    }
    %scan3A_6 = arith.constant 1024 : i32
    %mul3A_7 = arith.constant 6256 : i32
    %mul3A_8 = arith.muli %arg1, %mul3A_7 : i32
    %add3A_9 = arith.constant 0 : i32
    %add3A_10 = arith.addi %mul3A_8, %add3A_9 : i32
    "tpu.region"() ({
      %run_scoped3A = tpu.sem_alloc : memref<!tpu.dma_semaphore, #tpu.memory_space<semaphore_mem>>
      %dma_start3A = arith.constant 0 : i32
      %dma_start3A_52 = tpu.memref_slice %arg8[%add3A_10, %dma_start3A] : memref<100096x16xf32, #tpu.memory_space<vmem_shared>> -> memref<1024x16xf32, #tpu.memory_space<vmem_shared>>
      %dma_start3A_53 = arith.constant 0 : i32
      %dma_start3A_54 = tpu.memref_slice %arg8[%add3A_10, %dma_start3A_53] : memref<100096x16xf32, #tpu.memory_space<vmem_shared>> -> memref<1024x16xf32, #tpu.memory_space<vmem_shared>>
      tpu.enqueue_dma source(%arg7 : memref<1024x16xf32, #tpu.memory_space<vmem>>) target(%dma_start3A_54 : memref<1024x16xf32, #tpu.memory_space<vmem_shared>>) target_semaphore(%run_scoped3A : memref<!tpu.dma_semaphore, #tpu.memory_space<semaphore_mem>>)
      %dma_wait3A = arith.constant 0 : i32
      %dma_wait3A_55 = tpu.memref_slice %arg8[%add3A_10, %dma_wait3A] : memref<100096x16xf32, #tpu.memory_space<vmem_shared>> -> memref<1024x16xf32, #tpu.memory_space<vmem_shared>>
      %dma_wait3A_56 = arith.constant 0 : i32
      %dma_wait3A_57 = tpu.memref_slice %arg8[%add3A_10, %dma_wait3A_56] : memref<100096x16xf32, #tpu.memory_space<vmem_shared>> -> memref<1024x16xf32, #tpu.memory_space<vmem_shared>>
      tpu.wait_dma2 semaphore(%run_scoped3A : memref<!tpu.dma_semaphore, #tpu.memory_space<semaphore_mem>>) src(%arg7 : memref<1024x16xf32, #tpu.memory_space<vmem>>) dst(%dma_wait3A_57 : memref<1024x16xf32, #tpu.memory_space<vmem_shared>>)
      tpu.yield
    }) : () -> ()
    %add3A_11 = arith.constant 1024 : i32
    %add3A_12 = arith.addi %mul3A_8, %add3A_11 : i32
    "tpu.region"() ({
      %run_scoped3A = tpu.sem_alloc : memref<!tpu.dma_semaphore, #tpu.memory_space<semaphore_mem>>
      %dma_start3A = arith.constant 0 : i32
      %dma_start3A_52 = tpu.memref_slice %arg8[%add3A_12, %dma_start3A] : memref<100096x16xf32, #tpu.memory_space<vmem_shared>> -> memref<1024x16xf32, #tpu.memory_space<vmem_shared>>
      %dma_start3A_53 = arith.constant 0 : i32
      %dma_start3A_54 = tpu.memref_slice %arg8[%add3A_12, %dma_start3A_53] : memref<100096x16xf32, #tpu.memory_space<vmem_shared>> -> memref<1024x16xf32, #tpu.memory_space<vmem_shared>>
      tpu.enqueue_dma source(%arg7 : memref<1024x16xf32, #tpu.memory_space<vmem>>) target(%dma_start3A_54 : memref<1024x16xf32, #tpu.memory_space<vmem_shared>>) target_semaphore(%run_scoped3A : memref<!tpu.dma_semaphore, #tpu.memory_space<semaphore_mem>>)
      %dma_wait3A = arith.constant 0 : i32
      %dma_wait3A_55 = tpu.memref_slice %arg8[%add3A_12, %dma_wait3A] : memref<100096x16xf32, #tpu.memory_space<vmem_shared>> -> memref<1024x16xf32, #tpu.memory_space<vmem_shared>>
      %dma_wait3A_56 = arith.constant 0 : i32
      %dma_wait3A_57 = tpu.memref_slice %arg8[%add3A_12, %dma_wait3A_56] : memref<100096x16xf32, #tpu.memory_space<vmem_shared>> -> memref<1024x16xf32, #tpu.memory_space<vmem_shared>>
      tpu.wait_dma2 semaphore(%run_scoped3A : memref<!tpu.dma_semaphore, #tpu.memory_space<semaphore_mem>>) src(%arg7 : memref<1024x16xf32, #tpu.memory_space<vmem>>) dst(%dma_wait3A_57 : memref<1024x16xf32, #tpu.memory_space<vmem_shared>>)
      tpu.yield
    }) : () -> ()
    %add3A_13 = arith.constant 2048 : i32
    %add3A_14 = arith.addi %mul3A_8, %add3A_13 : i32
    "tpu.region"() ({
      %run_scoped3A = tpu.sem_alloc : memref<!tpu.dma_semaphore, #tpu.memory_space<semaphore_mem>>
      %dma_start3A = arith.constant 0 : i32
      %dma_start3A_52 = tpu.memref_slice %arg8[%add3A_14, %dma_start3A] : memref<100096x16xf32, #tpu.memory_space<vmem_shared>> -> memref<1024x16xf32, #tpu.memory_space<vmem_shared>>
      %dma_start3A_53 = arith.constant 0 : i32
      %dma_start3A_54 = tpu.memref_slice %arg8[%add3A_14, %dma_start3A_53] : memref<100096x16xf32, #tpu.memory_space<vmem_shared>> -> memref<1024x16xf32, #tpu.memory_space<vmem_shared>>
      tpu.enqueue_dma source(%arg7 : memref<1024x16xf32, #tpu.memory_space<vmem>>) target(%dma_start3A_54 : memref<1024x16xf32, #tpu.memory_space<vmem_shared>>) target_semaphore(%run_scoped3A : memref<!tpu.dma_semaphore, #tpu.memory_space<semaphore_mem>>)
      %dma_wait3A = arith.constant 0 : i32
      %dma_wait3A_55 = tpu.memref_slice %arg8[%add3A_14, %dma_wait3A] : memref<100096x16xf32, #tpu.memory_space<vmem_shared>> -> memref<1024x16xf32, #tpu.memory_space<vmem_shared>>
      %dma_wait3A_56 = arith.constant 0 : i32
      %dma_wait3A_57 = tpu.memref_slice %arg8[%add3A_14, %dma_wait3A_56] : memref<100096x16xf32, #tpu.memory_space<vmem_shared>> -> memref<1024x16xf32, #tpu.memory_space<vmem_shared>>
      tpu.wait_dma2 semaphore(%run_scoped3A : memref<!tpu.dma_semaphore, #tpu.memory_space<semaphore_mem>>) src(%arg7 : memref<1024x16xf32, #tpu.memory_space<vmem>>) dst(%dma_wait3A_57 : memref<1024x16xf32, #tpu.memory_space<vmem_shared>>)
      tpu.yield
    }) : () -> ()
    %add3A_15 = arith.constant 3072 : i32
    %add3A_16 = arith.addi %mul3A_8, %add3A_15 : i32
    "tpu.region"() ({
      %run_scoped3A = tpu.sem_alloc : memref<!tpu.dma_semaphore, #tpu.memory_space<semaphore_mem>>
      %dma_start3A = arith.constant 0 : i32
      %dma_start3A_52 = tpu.memref_slice %arg8[%add3A_16, %dma_start3A] : memref<100096x16xf32, #tpu.memory_space<vmem_shared>> -> memref<1024x16xf32, #tpu.memory_space<vmem_shared>>
      %dma_start3A_53 = arith.constant 0 : i32
      %dma_start3A_54 = tpu.memref_slice %arg8[%add3A_16, %dma_start3A_53] : memref<100096x16xf32, #tpu.memory_space<vmem_shared>> -> memref<1024x16xf32, #tpu.memory_space<vmem_shared>>
      tpu.enqueue_dma source(%arg7 : memref<1024x16xf32, #tpu.memory_space<vmem>>) target(%dma_start3A_54 : memref<1024x16xf32, #tpu.memory_space<vmem_shared>>) target_semaphore(%run_scoped3A : memref<!tpu.dma_semaphore, #tpu.memory_space<semaphore_mem>>)
      %dma_wait3A = arith.constant 0 : i32
      %dma_wait3A_55 = tpu.memref_slice %arg8[%add3A_16, %dma_wait3A] : memref<100096x16xf32, #tpu.memory_space<vmem_shared>> -> memref<1024x16xf32, #tpu.memory_space<vmem_shared>>
      %dma_wait3A_56 = arith.constant 0 : i32
      %dma_wait3A_57 = tpu.memref_slice %arg8[%add3A_16, %dma_wait3A_56] : memref<100096x16xf32, #tpu.memory_space<vmem_shared>> -> memref<1024x16xf32, #tpu.memory_space<vmem_shared>>
      tpu.wait_dma2 semaphore(%run_scoped3A : memref<!tpu.dma_semaphore, #tpu.memory_space<semaphore_mem>>) src(%arg7 : memref<1024x16xf32, #tpu.memory_space<vmem>>) dst(%dma_wait3A_57 : memref<1024x16xf32, #tpu.memory_space<vmem_shared>>)
      tpu.yield
    }) : () -> ()
    %add3A_17 = arith.constant 4096 : i32
    %add3A_18 = arith.addi %mul3A_8, %add3A_17 : i32
    "tpu.region"() ({
      %run_scoped3A = tpu.sem_alloc : memref<!tpu.dma_semaphore, #tpu.memory_space<semaphore_mem>>
      %dma_start3A = arith.constant 0 : i32
      %dma_start3A_52 = tpu.memref_slice %arg8[%add3A_18, %dma_start3A] : memref<100096x16xf32, #tpu.memory_space<vmem_shared>> -> memref<1024x16xf32, #tpu.memory_space<vmem_shared>>
      %dma_start3A_53 = arith.constant 0 : i32
      %dma_start3A_54 = tpu.memref_slice %arg8[%add3A_18, %dma_start3A_53] : memref<100096x16xf32, #tpu.memory_space<vmem_shared>> -> memref<1024x16xf32, #tpu.memory_space<vmem_shared>>
      tpu.enqueue_dma source(%arg7 : memref<1024x16xf32, #tpu.memory_space<vmem>>) target(%dma_start3A_54 : memref<1024x16xf32, #tpu.memory_space<vmem_shared>>) target_semaphore(%run_scoped3A : memref<!tpu.dma_semaphore, #tpu.memory_space<semaphore_mem>>)
      %dma_wait3A = arith.constant 0 : i32
      %dma_wait3A_55 = tpu.memref_slice %arg8[%add3A_18, %dma_wait3A] : memref<100096x16xf32, #tpu.memory_space<vmem_shared>> -> memref<1024x16xf32, #tpu.memory_space<vmem_shared>>
      %dma_wait3A_56 = arith.constant 0 : i32
      %dma_wait3A_57 = tpu.memref_slice %arg8[%add3A_18, %dma_wait3A_56] : memref<100096x16xf32, #tpu.memory_space<vmem_shared>> -> memref<1024x16xf32, #tpu.memory_space<vmem_shared>>
      tpu.wait_dma2 semaphore(%run_scoped3A : memref<!tpu.dma_semaphore, #tpu.memory_space<semaphore_mem>>) src(%arg7 : memref<1024x16xf32, #tpu.memory_space<vmem>>) dst(%dma_wait3A_57 : memref<1024x16xf32, #tpu.memory_space<vmem_shared>>)
      tpu.yield
    }) : () -> ()
    %add3A_19 = arith.constant 5120 : i32
    %add3A_20 = arith.addi %mul3A_8, %add3A_19 : i32
    "tpu.region"() ({
      %run_scoped3A = tpu.sem_alloc : memref<!tpu.dma_semaphore, #tpu.memory_space<semaphore_mem>>
      %dma_start3A = arith.constant 0 : i32
      %dma_start3A_52 = tpu.memref_slice %arg8[%add3A_20, %dma_start3A] : memref<100096x16xf32, #tpu.memory_space<vmem_shared>> -> memref<1024x16xf32, #tpu.memory_space<vmem_shared>>
      %dma_start3A_53 = arith.constant 0 : i32
      %dma_start3A_54 = tpu.memref_slice %arg8[%add3A_20, %dma_start3A_53] : memref<100096x16xf32, #tpu.memory_space<vmem_shared>> -> memref<1024x16xf32, #tpu.memory_space<vmem_shared>>
      tpu.enqueue_dma source(%arg7 : memref<1024x16xf32, #tpu.memory_space<vmem>>) target(%dma_start3A_54 : memref<1024x16xf32, #tpu.memory_space<vmem_shared>>) target_semaphore(%run_scoped3A : memref<!tpu.dma_semaphore, #tpu.memory_space<semaphore_mem>>)
      %dma_wait3A = arith.constant 0 : i32
      %dma_wait3A_55 = tpu.memref_slice %arg8[%add3A_20, %dma_wait3A] : memref<100096x16xf32, #tpu.memory_space<vmem_shared>> -> memref<1024x16xf32, #tpu.memory_space<vmem_shared>>
      %dma_wait3A_56 = arith.constant 0 : i32
      %dma_wait3A_57 = tpu.memref_slice %arg8[%add3A_20, %dma_wait3A_56] : memref<100096x16xf32, #tpu.memory_space<vmem_shared>> -> memref<1024x16xf32, #tpu.memory_space<vmem_shared>>
      tpu.wait_dma2 semaphore(%run_scoped3A : memref<!tpu.dma_semaphore, #tpu.memory_space<semaphore_mem>>) src(%arg7 : memref<1024x16xf32, #tpu.memory_space<vmem>>) dst(%dma_wait3A_57 : memref<1024x16xf32, #tpu.memory_space<vmem_shared>>)
      tpu.yield
    }) : () -> ()
    %add3A_21 = arith.constant 6144 : i32
    %add3A_22 = arith.addi %mul3A_8, %add3A_21 : i32
    "tpu.region"() ({
      %run_scoped3A = tpu.sem_alloc : memref<!tpu.dma_semaphore, #tpu.memory_space<semaphore_mem>>
      %dma_start3A = arith.constant 0 : i32
      %dma_start3A_52 = arith.constant 0 : i32
      %dma_start3A_53 = tpu.memref_slice %arg7[%dma_start3A, %dma_start3A_52] : memref<1024x16xf32, #tpu.memory_space<vmem>> -> memref<112x16xf32, #tpu.memory_space<vmem>>
      %dma_start3A_54 = arith.constant 0 : i32
      %dma_start3A_55 = tpu.memref_slice %arg8[%add3A_22, %dma_start3A_54] : memref<100096x16xf32, #tpu.memory_space<vmem_shared>> -> memref<112x16xf32, #tpu.memory_space<vmem_shared>>
      %dma_start3A_56 = arith.constant 0 : i32
      %dma_start3A_57 = tpu.memref_slice %arg8[%add3A_22, %dma_start3A_56] : memref<100096x16xf32, #tpu.memory_space<vmem_shared>> -> memref<112x16xf32, #tpu.memory_space<vmem_shared>>
      %dma_start3A_58 = arith.constant 0 : i32
      %dma_start3A_59 = arith.constant 0 : i32
      %dma_start3A_60 = tpu.memref_slice %arg7[%dma_start3A_58, %dma_start3A_59] : memref<1024x16xf32, #tpu.memory_space<vmem>> -> memref<112x16xf32, #tpu.memory_space<vmem>>
      tpu.enqueue_dma source(%dma_start3A_60 : memref<112x16xf32, #tpu.memory_space<vmem>>) target(%dma_start3A_57 : memref<112x16xf32, #tpu.memory_space<vmem_shared>>) target_semaphore(%run_scoped3A : memref<!tpu.dma_semaphore, #tpu.memory_space<semaphore_mem>>)
      %dma_wait3A = arith.constant 0 : i32
      %dma_wait3A_61 = arith.constant 0 : i32
      %dma_wait3A_62 = tpu.memref_slice %arg7[%dma_wait3A, %dma_wait3A_61] : memref<1024x16xf32, #tpu.memory_space<vmem>> -> memref<112x16xf32, #tpu.memory_space<vmem>>
      %dma_wait3A_63 = arith.constant 0 : i32
      %dma_wait3A_64 = tpu.memref_slice %arg8[%add3A_22, %dma_wait3A_63] : memref<100096x16xf32, #tpu.memory_space<vmem_shared>> -> memref<112x16xf32, #tpu.memory_space<vmem_shared>>
      %dma_wait3A_65 = arith.constant 0 : i32
      %dma_wait3A_66 = tpu.memref_slice %arg8[%add3A_22, %dma_wait3A_65] : memref<100096x16xf32, #tpu.memory_space<vmem_shared>> -> memref<112x16xf32, #tpu.memory_space<vmem_shared>>
      %dma_wait3A_67 = arith.constant 0 : i32
      %dma_wait3A_68 = arith.constant 0 : i32
      %dma_wait3A_69 = tpu.memref_slice %arg7[%dma_wait3A_67, %dma_wait3A_68] : memref<1024x16xf32, #tpu.memory_space<vmem>> -> memref<112x16xf32, #tpu.memory_space<vmem>>
      tpu.wait_dma2 semaphore(%run_scoped3A : memref<!tpu.dma_semaphore, #tpu.memory_space<semaphore_mem>>) src(%dma_wait3A_69 : memref<112x16xf32, #tpu.memory_space<vmem>>) dst(%dma_wait3A_66 : memref<112x16xf32, #tpu.memory_space<vmem_shared>>)
      tpu.yield
    }) : () -> ()
    %barrier3A = arith.constant 0 : index
    tpu.barrier barrier_id(%barrier3A)
    %mul3A_23 = arith.constant 97 : i32
    %mul3A_24 = arith.muli %add3A, %mul3A_23 : i32
    %min3A = arith.constant 21 : i32
    %min3A_25 = arith.minsi %add3A, %min3A : i32
    %add3A_26 = arith.addi %mul3A_24, %min3A_25 : i32
    %mul3A_27 = arith.constant 8 : i32
    %mul3A_28 = arith.muli %add3A_26, %mul3A_27 : i32
    %lt3A = arith.constant 21 : i32
    %lt3A_29 = arith.cmpi slt, %add3A, %lt3A : i32
    %jit3A = arith.constant 1 : i32
    %jit3A_30 = arith.constant 0 : i32
    %select_n3A = arith.select %lt3A_29, %jit3A, %jit3A_30 : i32
    %add3A_31 = arith.constant 97 : i32
    %add3A_32 = arith.addi %add3A_31, %select_n3A : i32
    %while3A = arith.constant 0 : i32
    %while3A_33 = arith.constant 0 : i32
    %while3A_34 = arith.subi %add3A_32, %while3A : i32
    %while3A_35 = arith.addi %while3A, %while3A_34 : i32
    %while3A_36 = arith.constant 1 : i32
    %while3A_37 = arith.divsi %while3A_34, %while3A_36 : i32
    %while3A_38 = arith.muli %while3A_37, %while3A_36 : i32
    %while3A_39 = arith.addi %while3A, %while3A_38 : i32
    %while3A_40 = arith.constant 1 : i32
    %while3A_41 = scf.for %while3A_52 = %while3A to %while3A_39 step %while3A_40 iter_args(%while3A_53 = %while3A_33) -> (i32)  : i32 {
      %mul3A_54 = arith.constant 8 : i32
      %mul3A_55 = arith.muli %while3A_52, %mul3A_54 : i32
      %add3A_56 = arith.addi %mul3A_28, %mul3A_55 : i32
      %dma_start3A = arith.constant 0 : i32
      %dma_start3A_57 = tpu.memref_slice %arg2[%add3A_56, %dma_start3A] : memref<25000x128xi32, #tpu.memory_space<hbm>> -> memref<8x128xi32, #tpu.memory_space<hbm>>
      %dma_start3A_58 = arith.constant 0 : i32
      %dma_start3A_59 = tpu.memref_slice %arg2[%add3A_56, %dma_start3A_58] : memref<25000x128xi32, #tpu.memory_space<hbm>> -> memref<8x128xi32, #tpu.memory_space<hbm>>
      tpu.enqueue_dma source(%dma_start3A_59 : memref<8x128xi32, #tpu.memory_space<hbm>>) target(%arg6 : memref<8x128xi32, #tpu.memory_space<vmem>>) target_semaphore(%arg9 : memref<!tpu.dma_semaphore, #tpu.memory_space<semaphore_mem>>)
      %mul3A_60 = arith.constant 128 : i32
      %mul3A_61 = arith.muli %add3A_56, %mul3A_60 : i32
      %dma_start3A_62 = arith.constant 0 : i32
      %dma_start3A_63 = tpu.memref_slice %arg3[%mul3A_61, %dma_start3A_62] : memref<3200000x16xf32, #tpu.memory_space<hbm>> -> memref<1024x16xf32, #tpu.memory_space<hbm>>
      %dma_start3A_64 = arith.constant 0 : i32
      %dma_start3A_65 = tpu.memref_slice %arg3[%mul3A_61, %dma_start3A_64] : memref<3200000x16xf32, #tpu.memory_space<hbm>> -> memref<1024x16xf32, #tpu.memory_space<hbm>>
      tpu.enqueue_dma source(%dma_start3A_65 : memref<1024x16xf32, #tpu.memory_space<hbm>>) target(%arg7 : memref<1024x16xf32, #tpu.memory_space<vmem>>) target_semaphore(%arg9 : memref<!tpu.dma_semaphore, #tpu.memory_space<semaphore_mem>>)
      %dma_wait3A = arith.constant 0 : i32
      %dma_wait3A_66 = tpu.memref_slice %arg2[%add3A_56, %dma_wait3A] : memref<25000x128xi32, #tpu.memory_space<hbm>> -> memref<8x128xi32, #tpu.memory_space<hbm>>
      %dma_wait3A_67 = arith.constant 0 : i32
      %dma_wait3A_68 = tpu.memref_slice %arg2[%add3A_56, %dma_wait3A_67] : memref<25000x128xi32, #tpu.memory_space<hbm>> -> memref<8x128xi32, #tpu.memory_space<hbm>>
      tpu.wait_dma2 semaphore(%arg9 : memref<!tpu.dma_semaphore, #tpu.memory_space<semaphore_mem>>) src(%dma_wait3A_68 : memref<8x128xi32, #tpu.memory_space<hbm>>) dst(%arg6 : memref<8x128xi32, #tpu.memory_space<vmem>>)
      %dma_wait3A_69 = arith.constant 0 : i32
      %dma_wait3A_70 = tpu.memref_slice %arg3[%mul3A_61, %dma_wait3A_69] : memref<3200000x16xf32, #tpu.memory_space<hbm>> -> memref<1024x16xf32, #tpu.memory_space<hbm>>
      %dma_wait3A_71 = arith.constant 0 : i32
      %dma_wait3A_72 = tpu.memref_slice %arg3[%mul3A_61, %dma_wait3A_71] : memref<3200000x16xf32, #tpu.memory_space<hbm>> -> memref<1024x16xf32, #tpu.memory_space<hbm>>
      tpu.wait_dma2 semaphore(%arg9 : memref<!tpu.dma_semaphore, #tpu.memory_space<semaphore_mem>>) src(%dma_wait3A_72 : memref<1024x16xf32, #tpu.memory_space<hbm>>) dst(%arg7 : memref<1024x16xf32, #tpu.memory_space<vmem>>)
      %dma_start3A_73 = arith.constant 0 : i32
      %dma_start3A_74 = arith.constant 0 : i32
      %dma_start3A_75 = arith.constant 0 : i32
      %dma_start3A_76 = tpu.memref_slice %arg7[%dma_start3A_74, %dma_start3A_75] : memref<1024x16xf32, #tpu.memory_space<vmem>> -> memref<128x16xf32, #tpu.memory_space<vmem>>
      %dma_start3A_77 = arith.constant 0 : i32
      %dma_start3A_78 = tpu.memref_slice %arg6[%dma_start3A_73, %dma_start3A_77] : memref<8x128xi32, #tpu.memory_space<vmem>> -> memref<1x128xi32, #tpu.memory_space<vmem>>
      %dma_start3A_79 = tpu.memref_squeeze %dma_start3A_78 : memref<1x128xi32, #tpu.memory_space<vmem>> -> memref<128xi32, #tpu.memory_space<vmem>>
      %dma_start3A_80 = arith.constant 0 : i32
      %dma_start3A_81 = arith.constant 0 : i32
      %dma_start3A_82 = tpu.memref_slice %arg8[%dma_start3A_80, %dma_start3A_81] : memref<100096x16xf32, #tpu.memory_space<vmem_shared>> -> memref<100096x16xf32, #tpu.memory_space<vmem_shared>>
      tpu.enqueue_indirect_dma source(%dma_start3A_76 : memref<128x16xf32, #tpu.memory_space<vmem>>) target(%dma_start3A_82 : memref<100096x16xf32, #tpu.memory_space<vmem_shared>>) offsets(%dma_start3A_79 : memref<128xi32, #tpu.memory_space<vmem>>) semaphore(%arg10 : memref<!tpu.dma_semaphore, #tpu.memory_space<semaphore_mem>>) {add = true}
      %dma_start3A_83 = arith.constant 1 : i32
      %dma_start3A_84 = arith.constant 128 : i32
      %dma_start3A_85 = arith.constant 0 : i32
      %dma_start3A_86 = tpu.memref_slice %arg7[%dma_start3A_84, %dma_start3A_85] : memref<1024x16xf32, #tpu.memory_space<vmem>> -> memref<128x16xf32, #tpu.memory_space<vmem>>
      %dma_start3A_87 = arith.constant 0 : i32
      %dma_start3A_88 = tpu.memref_slice %arg6[%dma_start3A_83, %dma_start3A_87] : memref<8x128xi32, #tpu.memory_space<vmem>> -> memref<1x128xi32, #tpu.memory_space<vmem>>
      %dma_start3A_89 = tpu.memref_squeeze %dma_start3A_88 : memref<1x128xi32, #tpu.memory_space<vmem>> -> memref<128xi32, #tpu.memory_space<vmem>>
      %dma_start3A_90 = arith.constant 0 : i32
      %dma_start3A_91 = arith.constant 0 : i32
      %dma_start3A_92 = tpu.memref_slice %arg8[%dma_start3A_90, %dma_start3A_91] : memref<100096x16xf32, #tpu.memory_space<vmem_shared>> -> memref<100096x16xf32, #tpu.memory_space<vmem_shared>>
      tpu.enqueue_indirect_dma source(%dma_start3A_86 : memref<128x16xf32, #tpu.memory_space<vmem>>) target(%dma_start3A_92 : memref<100096x16xf32, #tpu.memory_space<vmem_shared>>) offsets(%dma_start3A_89 : memref<128xi32, #tpu.memory_space<vmem>>) semaphore(%arg10 : memref<!tpu.dma_semaphore, #tpu.memory_space<semaphore_mem>>) {add = true}
      %dma_start3A_93 = arith.constant 2 : i32
      %dma_start3A_94 = arith.constant 256 : i32
      %dma_start3A_95 = arith.constant 0 : i32
      %dma_start3A_96 = tpu.memref_slice %arg7[%dma_start3A_94, %dma_start3A_95] : memref<1024x16xf32, #tpu.memory_space<vmem>> -> memref<128x16xf32, #tpu.memory_space<vmem>>
      %dma_start3A_97 = arith.constant 0 : i32
      %dma_start3A_98 = tpu.memref_slice %arg6[%dma_start3A_93, %dma_start3A_97] : memref<8x128xi32, #tpu.memory_space<vmem>> -> memref<1x128xi32, #tpu.memory_space<vmem>>
      %dma_start3A_99 = tpu.memref_squeeze %dma_start3A_98 : memref<1x128xi32, #tpu.memory_space<vmem>> -> memref<128xi32, #tpu.memory_space<vmem>>
      %dma_start3A_100 = arith.constant 0 : i32
      %dma_start3A_101 = arith.constant 0 : i32
      %dma_start3A_102 = tpu.memref_slice %arg8[%dma_start3A_100, %dma_start3A_101] : memref<100096x16xf32, #tpu.memory_space<vmem_shared>> -> memref<100096x16xf32, #tpu.memory_space<vmem_shared>>
      tpu.enqueue_indirect_dma source(%dma_start3A_96 : memref<128x16xf32, #tpu.memory_space<vmem>>) target(%dma_start3A_102 : memref<100096x16xf32, #tpu.memory_space<vmem_shared>>) offsets(%dma_start3A_99 : memref<128xi32, #tpu.memory_space<vmem>>) semaphore(%arg10 : memref<!tpu.dma_semaphore, #tpu.memory_space<semaphore_mem>>) {add = true}
      %dma_start3A_103 = arith.constant 3 : i32
      %dma_start3A_104 = arith.constant 384 : i32
      %dma_start3A_105 = arith.constant 0 : i32
      %dma_start3A_106 = tpu.memref_slice %arg7[%dma_start3A_104, %dma_start3A_105] : memref<1024x16xf32, #tpu.memory_space<vmem>> -> memref<128x16xf32, #tpu.memory_space<vmem>>
      %dma_start3A_107 = arith.constant 0 : i32
      %dma_start3A_108 = tpu.memref_slice %arg6[%dma_start3A_103, %dma_start3A_107] : memref<8x128xi32, #tpu.memory_space<vmem>> -> memref<1x128xi32, #tpu.memory_space<vmem>>
      %dma_start3A_109 = tpu.memref_squeeze %dma_start3A_108 : memref<1x128xi32, #tpu.memory_space<vmem>> -> memref<128xi32, #tpu.memory_space<vmem>>
      %dma_start3A_110 = arith.constant 0 : i32
      %dma_start3A_111 = arith.constant 0 : i32
      %dma_start3A_112 = tpu.memref_slice %arg8[%dma_start3A_110, %dma_start3A_111] : memref<100096x16xf32, #tpu.memory_space<vmem_shared>> -> memref<100096x16xf32, #tpu.memory_space<vmem_shared>>
      tpu.enqueue_indirect_dma source(%dma_start3A_106 : memref<128x16xf32, #tpu.memory_space<vmem>>) target(%dma_start3A_112 : memref<100096x16xf32, #tpu.memory_space<vmem_shared>>) offsets(%dma_start3A_109 : memref<128xi32, #tpu.memory_space<vmem>>) semaphore(%arg10 : memref<!tpu.dma_semaphore, #tpu.memory_space<semaphore_mem>>) {add = true}
      %dma_start3A_113 = arith.constant 4 : i32
      %dma_start3A_114 = arith.constant 512 : i32
      %dma_start3A_115 = arith.constant 0 : i32
      %dma_start3A_116 = tpu.memref_slice %arg7[%dma_start3A_114, %dma_start3A_115] : memref<1024x16xf32, #tpu.memory_space<vmem>> -> memref<128x16xf32, #tpu.memory_space<vmem>>
      %dma_start3A_117 = arith.constant 0 : i32
      %dma_start3A_118 = tpu.memref_slice %arg6[%dma_start3A_113, %dma_start3A_117] : memref<8x128xi32, #tpu.memory_space<vmem>> -> memref<1x128xi32, #tpu.memory_space<vmem>>
      %dma_start3A_119 = tpu.memref_squeeze %dma_start3A_118 : memref<1x128xi32, #tpu.memory_space<vmem>> -> memref<128xi32, #tpu.memory_space<vmem>>
      %dma_start3A_120 = arith.constant 0 : i32
      %dma_start3A_121 = arith.constant 0 : i32
      %dma_start3A_122 = tpu.memref_slice %arg8[%dma_start3A_120, %dma_start3A_121] : memref<100096x16xf32, #tpu.memory_space<vmem_shared>> -> memref<100096x16xf32, #tpu.memory_space<vmem_shared>>
      tpu.enqueue_indirect_dma source(%dma_start3A_116 : memref<128x16xf32, #tpu.memory_space<vmem>>) target(%dma_start3A_122 : memref<100096x16xf32, #tpu.memory_space<vmem_shared>>) offsets(%dma_start3A_119 : memref<128xi32, #tpu.memory_space<vmem>>) semaphore(%arg10 : memref<!tpu.dma_semaphore, #tpu.memory_space<semaphore_mem>>) {add = true}
      %dma_start3A_123 = arith.constant 5 : i32
      %dma_start3A_124 = arith.constant 640 : i32
      %dma_start3A_125 = arith.constant 0 : i32
      %dma_start3A_126 = tpu.memref_slice %arg7[%dma_start3A_124, %dma_start3A_125] : memref<1024x16xf32, #tpu.memory_space<vmem>> -> memref<128x16xf32, #tpu.memory_space<vmem>>
      %dma_start3A_127 = arith.constant 0 : i32
      %dma_start3A_128 = tpu.memref_slice %arg6[%dma_start3A_123, %dma_start3A_127] : memref<8x128xi32, #tpu.memory_space<vmem>> -> memref<1x128xi32, #tpu.memory_space<vmem>>
      %dma_start3A_129 = tpu.memref_squeeze %dma_start3A_128 : memref<1x128xi32, #tpu.memory_space<vmem>> -> memref<128xi32, #tpu.memory_space<vmem>>
      %dma_start3A_130 = arith.constant 0 : i32
      %dma_start3A_131 = arith.constant 0 : i32
      %dma_start3A_132 = tpu.memref_slice %arg8[%dma_start3A_130, %dma_start3A_131] : memref<100096x16xf32, #tpu.memory_space<vmem_shared>> -> memref<100096x16xf32, #tpu.memory_space<vmem_shared>>
      tpu.enqueue_indirect_dma source(%dma_start3A_126 : memref<128x16xf32, #tpu.memory_space<vmem>>) target(%dma_start3A_132 : memref<100096x16xf32, #tpu.memory_space<vmem_shared>>) offsets(%dma_start3A_129 : memref<128xi32, #tpu.memory_space<vmem>>) semaphore(%arg10 : memref<!tpu.dma_semaphore, #tpu.memory_space<semaphore_mem>>) {add = true}
      %dma_start3A_133 = arith.constant 6 : i32
      %dma_start3A_134 = arith.constant 768 : i32
      %dma_start3A_135 = arith.constant 0 : i32
      %dma_start3A_136 = tpu.memref_slice %arg7[%dma_start3A_134, %dma_start3A_135] : memref<1024x16xf32, #tpu.memory_space<vmem>> -> memref<128x16xf32, #tpu.memory_space<vmem>>
      %dma_start3A_137 = arith.constant 0 : i32
      %dma_start3A_138 = tpu.memref_slice %arg6[%dma_start3A_133, %dma_start3A_137] : memref<8x128xi32, #tpu.memory_space<vmem>> -> memref<1x128xi32, #tpu.memory_space<vmem>>
      %dma_start3A_139 = tpu.memref_squeeze %dma_start3A_138 : memref<1x128xi32, #tpu.memory_space<vmem>> -> memref<128xi32, #tpu.memory_space<vmem>>
      %dma_start3A_140 = arith.constant 0 : i32
      %dma_start3A_141 = arith.constant 0 : i32
      %dma_start3A_142 = tpu.memref_slice %arg8[%dma_start3A_140, %dma_start3A_141] : memref<100096x16xf32, #tpu.memory_space<vmem_shared>> -> memref<100096x16xf32, #tpu.memory_space<vmem_shared>>
      tpu.enqueue_indirect_dma source(%dma_start3A_136 : memref<128x16xf32, #tpu.memory_space<vmem>>) target(%dma_start3A_142 : memref<100096x16xf32, #tpu.memory_space<vmem_shared>>) offsets(%dma_start3A_139 : memref<128xi32, #tpu.memory_space<vmem>>) semaphore(%arg10 : memref<!tpu.dma_semaphore, #tpu.memory_space<semaphore_mem>>) {add = true}
      %dma_start3A_143 = arith.constant 7 : i32
      %dma_start3A_144 = arith.constant 896 : i32
      %dma_start3A_145 = arith.constant 0 : i32
      %dma_start3A_146 = tpu.memref_slice %arg7[%dma_start3A_144, %dma_start3A_145] : memref<1024x16xf32, #tpu.memory_space<vmem>> -> memref<128x16xf32, #tpu.memory_space<vmem>>
      %dma_start3A_147 = arith.constant 0 : i32
      %dma_start3A_148 = tpu.memref_slice %arg6[%dma_start3A_143, %dma_start3A_147] : memref<8x128xi32, #tpu.memory_space<vmem>> -> memref<1x128xi32, #tpu.memory_space<vmem>>
      %dma_start3A_149 = tpu.memref_squeeze %dma_start3A_148 : memref<1x128xi32, #tpu.memory_space<vmem>> -> memref<128xi32, #tpu.memory_space<vmem>>
      %dma_start3A_150 = arith.constant 0 : i32
      %dma_start3A_151 = arith.constant 0 : i32
      %dma_start3A_152 = tpu.memref_slice %arg8[%dma_start3A_150, %dma_start3A_151] : memref<100096x16xf32, #tpu.memory_space<vmem_shared>> -> memref<100096x16xf32, #tpu.memory_space<vmem_shared>>
      tpu.enqueue_indirect_dma source(%dma_start3A_146 : memref<128x16xf32, #tpu.memory_space<vmem>>) target(%dma_start3A_152 : memref<100096x16xf32, #tpu.memory_space<vmem_shared>>) offsets(%dma_start3A_149 : memref<128xi32, #tpu.memory_space<vmem>>) semaphore(%arg10 : memref<!tpu.dma_semaphore, #tpu.memory_space<semaphore_mem>>) {add = true}
      %dma_wait3A_153 = arith.constant 0 : i32
      %dma_wait3A_154 = arith.constant 0 : i32
      %dma_wait3A_155 = arith.constant 0 : i32
      %dma_wait3A_156 = tpu.memref_slice %arg7[%dma_wait3A_154, %dma_wait3A_155] : memref<1024x16xf32, #tpu.memory_space<vmem>> -> memref<128x16xf32, #tpu.memory_space<vmem>>
      %dma_wait3A_157 = arith.constant 0 : i32
      %dma_wait3A_158 = tpu.memref_slice %arg6[%dma_wait3A_153, %dma_wait3A_157] : memref<8x128xi32, #tpu.memory_space<vmem>> -> memref<1x128xi32, #tpu.memory_space<vmem>>
      %dma_wait3A_159 = tpu.memref_squeeze %dma_wait3A_158 : memref<1x128xi32, #tpu.memory_space<vmem>> -> memref<128xi32, #tpu.memory_space<vmem>>
      %dma_wait3A_160 = arith.constant 0 : i32
      %dma_wait3A_161 = arith.constant 0 : i32
      %dma_wait3A_162 = tpu.memref_slice %arg8[%dma_wait3A_160, %dma_wait3A_161] : memref<100096x16xf32, #tpu.memory_space<vmem_shared>> -> memref<100096x16xf32, #tpu.memory_space<vmem_shared>>
      tpu.wait_indirect_dma semaphore(%arg10 : memref<!tpu.dma_semaphore, #tpu.memory_space<semaphore_mem>>) src(%dma_wait3A_156 : memref<128x16xf32, #tpu.memory_space<vmem>>) dst(%dma_wait3A_162 : memref<100096x16xf32, #tpu.memory_space<vmem_shared>>)
      %dma_wait3A_163 = arith.constant 1 : i32
      %dma_wait3A_164 = arith.constant 128 : i32
      %dma_wait3A_165 = arith.constant 0 : i32
      %dma_wait3A_166 = tpu.memref_slice %arg7[%dma_wait3A_164, %dma_wait3A_165] : memref<1024x16xf32, #tpu.memory_space<vmem>> -> memref<128x16xf32, #tpu.memory_space<vmem>>
      %dma_wait3A_167 = arith.constant 0 : i32
      %dma_wait3A_168 = tpu.memref_slice %arg6[%dma_wait3A_163, %dma_wait3A_167] : memref<8x128xi32, #tpu.memory_space<vmem>> -> memref<1x128xi32, #tpu.memory_space<vmem>>
      %dma_wait3A_169 = tpu.memref_squeeze %dma_wait3A_168 : memref<1x128xi32, #tpu.memory_space<vmem>> -> memref<128xi32, #tpu.memory_space<vmem>>
      %dma_wait3A_170 = arith.constant 0 : i32
      %dma_wait3A_171 = arith.constant 0 : i32
      %dma_wait3A_172 = tpu.memref_slice %arg8[%dma_wait3A_170, %dma_wait3A_171] : memref<100096x16xf32, #tpu.memory_space<vmem_shared>> -> memref<100096x16xf32, #tpu.memory_space<vmem_shared>>
      tpu.wait_indirect_dma semaphore(%arg10 : memref<!tpu.dma_semaphore, #tpu.memory_space<semaphore_mem>>) src(%dma_wait3A_166 : memref<128x16xf32, #tpu.memory_space<vmem>>) dst(%dma_wait3A_172 : memref<100096x16xf32, #tpu.memory_space<vmem_shared>>)
      %dma_wait3A_173 = arith.constant 2 : i32
      %dma_wait3A_174 = arith.constant 256 : i32
      %dma_wait3A_175 = arith.constant 0 : i32
      %dma_wait3A_176 = tpu.memref_slice %arg7[%dma_wait3A_174, %dma_wait3A_175] : memref<1024x16xf32, #tpu.memory_space<vmem>> -> memref<128x16xf32, #tpu.memory_space<vmem>>
      %dma_wait3A_177 = arith.constant 0 : i32
      %dma_wait3A_178 = tpu.memref_slice %arg6[%dma_wait3A_173, %dma_wait3A_177] : memref<8x128xi32, #tpu.memory_space<vmem>> -> memref<1x128xi32, #tpu.memory_space<vmem>>
      %dma_wait3A_179 = tpu.memref_squeeze %dma_wait3A_178 : memref<1x128xi32, #tpu.memory_space<vmem>> -> memref<128xi32, #tpu.memory_space<vmem>>
      %dma_wait3A_180 = arith.constant 0 : i32
      %dma_wait3A_181 = arith.constant 0 : i32
      %dma_wait3A_182 = tpu.memref_slice %arg8[%dma_wait3A_180, %dma_wait3A_181] : memref<100096x16xf32, #tpu.memory_space<vmem_shared>> -> memref<100096x16xf32, #tpu.memory_space<vmem_shared>>
      tpu.wait_indirect_dma semaphore(%arg10 : memref<!tpu.dma_semaphore, #tpu.memory_space<semaphore_mem>>) src(%dma_wait3A_176 : memref<128x16xf32, #tpu.memory_space<vmem>>) dst(%dma_wait3A_182 : memref<100096x16xf32, #tpu.memory_space<vmem_shared>>)
      %dma_wait3A_183 = arith.constant 3 : i32
      %dma_wait3A_184 = arith.constant 384 : i32
      %dma_wait3A_185 = arith.constant 0 : i32
      %dma_wait3A_186 = tpu.memref_slice %arg7[%dma_wait3A_184, %dma_wait3A_185] : memref<1024x16xf32, #tpu.memory_space<vmem>> -> memref<128x16xf32, #tpu.memory_space<vmem>>
      %dma_wait3A_187 = arith.constant 0 : i32
      %dma_wait3A_188 = tpu.memref_slice %arg6[%dma_wait3A_183, %dma_wait3A_187] : memref<8x128xi32, #tpu.memory_space<vmem>> -> memref<1x128xi32, #tpu.memory_space<vmem>>
      %dma_wait3A_189 = tpu.memref_squeeze %dma_wait3A_188 : memref<1x128xi32, #tpu.memory_space<vmem>> -> memref<128xi32, #tpu.memory_space<vmem>>
      %dma_wait3A_190 = arith.constant 0 : i32
      %dma_wait3A_191 = arith.constant 0 : i32
      %dma_wait3A_192 = tpu.memref_slice %arg8[%dma_wait3A_190, %dma_wait3A_191] : memref<100096x16xf32, #tpu.memory_space<vmem_shared>> -> memref<100096x16xf32, #tpu.memory_space<vmem_shared>>
      tpu.wait_indirect_dma semaphore(%arg10 : memref<!tpu.dma_semaphore, #tpu.memory_space<semaphore_mem>>) src(%dma_wait3A_186 : memref<128x16xf32, #tpu.memory_space<vmem>>) dst(%dma_wait3A_192 : memref<100096x16xf32, #tpu.memory_space<vmem_shared>>)
      %dma_wait3A_193 = arith.constant 4 : i32
      %dma_wait3A_194 = arith.constant 512 : i32
      %dma_wait3A_195 = arith.constant 0 : i32
      %dma_wait3A_196 = tpu.memref_slice %arg7[%dma_wait3A_194, %dma_wait3A_195] : memref<1024x16xf32, #tpu.memory_space<vmem>> -> memref<128x16xf32, #tpu.memory_space<vmem>>
      %dma_wait3A_197 = arith.constant 0 : i32
      %dma_wait3A_198 = tpu.memref_slice %arg6[%dma_wait3A_193, %dma_wait3A_197] : memref<8x128xi32, #tpu.memory_space<vmem>> -> memref<1x128xi32, #tpu.memory_space<vmem>>
      %dma_wait3A_199 = tpu.memref_squeeze %dma_wait3A_198 : memref<1x128xi32, #tpu.memory_space<vmem>> -> memref<128xi32, #tpu.memory_space<vmem>>
      %dma_wait3A_200 = arith.constant 0 : i32
      %dma_wait3A_201 = arith.constant 0 : i32
      %dma_wait3A_202 = tpu.memref_slice %arg8[%dma_wait3A_200, %dma_wait3A_201] : memref<100096x16xf32, #tpu.memory_space<vmem_shared>> -> memref<100096x16xf32, #tpu.memory_space<vmem_shared>>
      tpu.wait_indirect_dma semaphore(%arg10 : memref<!tpu.dma_semaphore, #tpu.memory_space<semaphore_mem>>) src(%dma_wait3A_196 : memref<128x16xf32, #tpu.memory_space<vmem>>) dst(%dma_wait3A_202 : memref<100096x16xf32, #tpu.memory_space<vmem_shared>>)
      %dma_wait3A_203 = arith.constant 5 : i32
      %dma_wait3A_204 = arith.constant 640 : i32
      %dma_wait3A_205 = arith.constant 0 : i32
      %dma_wait3A_206 = tpu.memref_slice %arg7[%dma_wait3A_204, %dma_wait3A_205] : memref<1024x16xf32, #tpu.memory_space<vmem>> -> memref<128x16xf32, #tpu.memory_space<vmem>>
      %dma_wait3A_207 = arith.constant 0 : i32
      %dma_wait3A_208 = tpu.memref_slice %arg6[%dma_wait3A_203, %dma_wait3A_207] : memref<8x128xi32, #tpu.memory_space<vmem>> -> memref<1x128xi32, #tpu.memory_space<vmem>>
      %dma_wait3A_209 = tpu.memref_squeeze %dma_wait3A_208 : memref<1x128xi32, #tpu.memory_space<vmem>> -> memref<128xi32, #tpu.memory_space<vmem>>
      %dma_wait3A_210 = arith.constant 0 : i32
      %dma_wait3A_211 = arith.constant 0 : i32
      %dma_wait3A_212 = tpu.memref_slice %arg8[%dma_wait3A_210, %dma_wait3A_211] : memref<100096x16xf32, #tpu.memory_space<vmem_shared>> -> memref<100096x16xf32, #tpu.memory_space<vmem_shared>>
      tpu.wait_indirect_dma semaphore(%arg10 : memref<!tpu.dma_semaphore, #tpu.memory_space<semaphore_mem>>) src(%dma_wait3A_206 : memref<128x16xf32, #tpu.memory_space<vmem>>) dst(%dma_wait3A_212 : memref<100096x16xf32, #tpu.memory_space<vmem_shared>>)
      %dma_wait3A_213 = arith.constant 6 : i32
      %dma_wait3A_214 = arith.constant 768 : i32
      %dma_wait3A_215 = arith.constant 0 : i32
      %dma_wait3A_216 = tpu.memref_slice %arg7[%dma_wait3A_214, %dma_wait3A_215] : memref<1024x16xf32, #tpu.memory_space<vmem>> -> memref<128x16xf32, #tpu.memory_space<vmem>>
      %dma_wait3A_217 = arith.constant 0 : i32
      %dma_wait3A_218 = tpu.memref_slice %arg6[%dma_wait3A_213, %dma_wait3A_217] : memref<8x128xi32, #tpu.memory_space<vmem>> -> memref<1x128xi32, #tpu.memory_space<vmem>>
      %dma_wait3A_219 = tpu.memref_squeeze %dma_wait3A_218 : memref<1x128xi32, #tpu.memory_space<vmem>> -> memref<128xi32, #tpu.memory_space<vmem>>
      %dma_wait3A_220 = arith.constant 0 : i32
      %dma_wait3A_221 = arith.constant 0 : i32
      %dma_wait3A_222 = tpu.memref_slice %arg8[%dma_wait3A_220, %dma_wait3A_221] : memref<100096x16xf32, #tpu.memory_space<vmem_shared>> -> memref<100096x16xf32, #tpu.memory_space<vmem_shared>>
      tpu.wait_indirect_dma semaphore(%arg10 : memref<!tpu.dma_semaphore, #tpu.memory_space<semaphore_mem>>) src(%dma_wait3A_216 : memref<128x16xf32, #tpu.memory_space<vmem>>) dst(%dma_wait3A_222 : memref<100096x16xf32, #tpu.memory_space<vmem_shared>>)
      %dma_wait3A_223 = arith.constant 7 : i32
      %dma_wait3A_224 = arith.constant 896 : i32
      %dma_wait3A_225 = arith.constant 0 : i32
      %dma_wait3A_226 = tpu.memref_slice %arg7[%dma_wait3A_224, %dma_wait3A_225] : memref<1024x16xf32, #tpu.memory_space<vmem>> -> memref<128x16xf32, #tpu.memory_space<vmem>>
      %dma_wait3A_227 = arith.constant 0 : i32
      %dma_wait3A_228 = tpu.memref_slice %arg6[%dma_wait3A_223, %dma_wait3A_227] : memref<8x128xi32, #tpu.memory_space<vmem>> -> memref<1x128xi32, #tpu.memory_space<vmem>>
      %dma_wait3A_229 = tpu.memref_squeeze %dma_wait3A_228 : memref<1x128xi32, #tpu.memory_space<vmem>> -> memref<128xi32, #tpu.memory_space<vmem>>
      %dma_wait3A_230 = arith.constant 0 : i32
      %dma_wait3A_231 = arith.constant 0 : i32
      %dma_wait3A_232 = tpu.memref_slice %arg8[%dma_wait3A_230, %dma_wait3A_231] : memref<100096x16xf32, #tpu.memory_space<vmem_shared>> -> memref<100096x16xf32, #tpu.memory_space<vmem_shared>>
      tpu.wait_indirect_dma semaphore(%arg10 : memref<!tpu.dma_semaphore, #tpu.memory_space<semaphore_mem>>) src(%dma_wait3A_226 : memref<128x16xf32, #tpu.memory_space<vmem>>) dst(%dma_wait3A_232 : memref<100096x16xf32, #tpu.memory_space<vmem_shared>>)
      %while3A_233 = arith.constant 0 : i32
      scf.yield %while3A_233 : i32
    }
    %while3A_42 = arith.constant 1 : i32
    %while3A_43 = scf.for %while3A_52 = %while3A_39 to %while3A_35 step %while3A_42 iter_args(%while3A_53 = %while3A_41) -> (i32)  : i32 {
      %mul3A_54 = arith.constant 8 : i32
      %mul3A_55 = arith.muli %while3A_52, %mul3A_54 : i32
      %add3A_56 = arith.addi %mul3A_28, %mul3A_55 : i32
      %dma_start3A = arith.constant 0 : i32
      %dma_start3A_57 = tpu.memref_slice %arg2[%add3A_56, %dma_start3A] : memref<25000x128xi32, #tpu.memory_space<hbm>> -> memref<8x128xi32, #tpu.memory_space<hbm>>
      %dma_start3A_58 = arith.constant 0 : i32
      %dma_start3A_59 = tpu.memref_slice %arg2[%add3A_56, %dma_start3A_58] : memref<25000x128xi32, #tpu.memory_space<hbm>> -> memref<8x128xi32, #tpu.memory_space<hbm>>
      tpu.enqueue_dma source(%dma_start3A_59 : memref<8x128xi32, #tpu.memory_space<hbm>>) target(%arg6 : memref<8x128xi32, #tpu.memory_space<vmem>>) target_semaphore(%arg9 : memref<!tpu.dma_semaphore, #tpu.memory_space<semaphore_mem>>)
      %mul3A_60 = arith.constant 128 : i32
      %mul3A_61 = arith.muli %add3A_56, %mul3A_60 : i32
      %dma_start3A_62 = arith.constant 0 : i32
      %dma_start3A_63 = tpu.memref_slice %arg3[%mul3A_61, %dma_start3A_62] : memref<3200000x16xf32, #tpu.memory_space<hbm>> -> memref<1024x16xf32, #tpu.memory_space<hbm>>
      %dma_start3A_64 = arith.constant 0 : i32
      %dma_start3A_65 = tpu.memref_slice %arg3[%mul3A_61, %dma_start3A_64] : memref<3200000x16xf32, #tpu.memory_space<hbm>> -> memref<1024x16xf32, #tpu.memory_space<hbm>>
      tpu.enqueue_dma source(%dma_start3A_65 : memref<1024x16xf32, #tpu.memory_space<hbm>>) target(%arg7 : memref<1024x16xf32, #tpu.memory_space<vmem>>) target_semaphore(%arg9 : memref<!tpu.dma_semaphore, #tpu.memory_space<semaphore_mem>>)
      %dma_wait3A = arith.constant 0 : i32
      %dma_wait3A_66 = tpu.memref_slice %arg2[%add3A_56, %dma_wait3A] : memref<25000x128xi32, #tpu.memory_space<hbm>> -> memref<8x128xi32, #tpu.memory_space<hbm>>
      %dma_wait3A_67 = arith.constant 0 : i32
      %dma_wait3A_68 = tpu.memref_slice %arg2[%add3A_56, %dma_wait3A_67] : memref<25000x128xi32, #tpu.memory_space<hbm>> -> memref<8x128xi32, #tpu.memory_space<hbm>>
      tpu.wait_dma2 semaphore(%arg9 : memref<!tpu.dma_semaphore, #tpu.memory_space<semaphore_mem>>) src(%dma_wait3A_68 : memref<8x128xi32, #tpu.memory_space<hbm>>) dst(%arg6 : memref<8x128xi32, #tpu.memory_space<vmem>>)
      %dma_wait3A_69 = arith.constant 0 : i32
      %dma_wait3A_70 = tpu.memref_slice %arg3[%mul3A_61, %dma_wait3A_69] : memref<3200000x16xf32, #tpu.memory_space<hbm>> -> memref<1024x16xf32, #tpu.memory_space<hbm>>
      %dma_wait3A_71 = arith.constant 0 : i32
      %dma_wait3A_72 = tpu.memref_slice %arg3[%mul3A_61, %dma_wait3A_71] : memref<3200000x16xf32, #tpu.memory_space<hbm>> -> memref<1024x16xf32, #tpu.memory_space<hbm>>
      tpu.wait_dma2 semaphore(%arg9 : memref<!tpu.dma_semaphore, #tpu.memory_space<semaphore_mem>>) src(%dma_wait3A_72 : memref<1024x16xf32, #tpu.memory_space<hbm>>) dst(%arg7 : memref<1024x16xf32, #tpu.memory_space<vmem>>)
      %dma_start3A_73 = arith.constant 0 : i32
      %dma_start3A_74 = arith.constant 0 : i32
      %dma_start3A_75 = arith.constant 0 : i32
      %dma_start3A_76 = tpu.memref_slice %arg7[%dma_start3A_74, %dma_start3A_75] : memref<1024x16xf32, #tpu.memory_space<vmem>> -> memref<128x16xf32, #tpu.memory_space<vmem>>
      %dma_start3A_77 = arith.constant 0 : i32
      %dma_start3A_78 = tpu.memref_slice %arg6[%dma_start3A_73, %dma_start3A_77] : memref<8x128xi32, #tpu.memory_space<vmem>> -> memref<1x128xi32, #tpu.memory_space<vmem>>
      %dma_start3A_79 = tpu.memref_squeeze %dma_start3A_78 : memref<1x128xi32, #tpu.memory_space<vmem>> -> memref<128xi32, #tpu.memory_space<vmem>>
      %dma_start3A_80 = arith.constant 0 : i32
      %dma_start3A_81 = arith.constant 0 : i32
      %dma_start3A_82 = tpu.memref_slice %arg8[%dma_start3A_80, %dma_start3A_81] : memref<100096x16xf32, #tpu.memory_space<vmem_shared>> -> memref<100096x16xf32, #tpu.memory_space<vmem_shared>>
      tpu.enqueue_indirect_dma source(%dma_start3A_76 : memref<128x16xf32, #tpu.memory_space<vmem>>) target(%dma_start3A_82 : memref<100096x16xf32, #tpu.memory_space<vmem_shared>>) offsets(%dma_start3A_79 : memref<128xi32, #tpu.memory_space<vmem>>) semaphore(%arg10 : memref<!tpu.dma_semaphore, #tpu.memory_space<semaphore_mem>>) {add = true}
      %dma_start3A_83 = arith.constant 1 : i32
      %dma_start3A_84 = arith.constant 128 : i32
      %dma_start3A_85 = arith.constant 0 : i32
      %dma_start3A_86 = tpu.memref_slice %arg7[%dma_start3A_84, %dma_start3A_85] : memref<1024x16xf32, #tpu.memory_space<vmem>> -> memref<128x16xf32, #tpu.memory_space<vmem>>
      %dma_start3A_87 = arith.constant 0 : i32
      %dma_start3A_88 = tpu.memref_slice %arg6[%dma_start3A_83, %dma_start3A_87] : memref<8x128xi32, #tpu.memory_space<vmem>> -> memref<1x128xi32, #tpu.memory_space<vmem>>
      %dma_start3A_89 = tpu.memref_squeeze %dma_start3A_88 : memref<1x128xi32, #tpu.memory_space<vmem>> -> memref<128xi32, #tpu.memory_space<vmem>>
      %dma_start3A_90 = arith.constant 0 : i32
      %dma_start3A_91 = arith.constant 0 : i32
      %dma_start3A_92 = tpu.memref_slice %arg8[%dma_start3A_90, %dma_start3A_91] : memref<100096x16xf32, #tpu.memory_space<vmem_shared>> -> memref<100096x16xf32, #tpu.memory_space<vmem_shared>>
      tpu.enqueue_indirect_dma source(%dma_start3A_86 : memref<128x16xf32, #tpu.memory_space<vmem>>) target(%dma_start3A_92 : memref<100096x16xf32, #tpu.memory_space<vmem_shared>>) offsets(%dma_start3A_89 : memref<128xi32, #tpu.memory_space<vmem>>) semaphore(%arg10 : memref<!tpu.dma_semaphore, #tpu.memory_space<semaphore_mem>>) {add = true}
      %dma_start3A_93 = arith.constant 2 : i32
      %dma_start3A_94 = arith.constant 256 : i32
      %dma_start3A_95 = arith.constant 0 : i32
      %dma_start3A_96 = tpu.memref_slice %arg7[%dma_start3A_94, %dma_start3A_95] : memref<1024x16xf32, #tpu.memory_space<vmem>> -> memref<128x16xf32, #tpu.memory_space<vmem>>
      %dma_start3A_97 = arith.constant 0 : i32
      %dma_start3A_98 = tpu.memref_slice %arg6[%dma_start3A_93, %dma_start3A_97] : memref<8x128xi32, #tpu.memory_space<vmem>> -> memref<1x128xi32, #tpu.memory_space<vmem>>
      %dma_start3A_99 = tpu.memref_squeeze %dma_start3A_98 : memref<1x128xi32, #tpu.memory_space<vmem>> -> memref<128xi32, #tpu.memory_space<vmem>>
      %dma_start3A_100 = arith.constant 0 : i32
      %dma_start3A_101 = arith.constant 0 : i32
      %dma_start3A_102 = tpu.memref_slice %arg8[%dma_start3A_100, %dma_start3A_101] : memref<100096x16xf32, #tpu.memory_space<vmem_shared>> -> memref<100096x16xf32, #tpu.memory_space<vmem_shared>>
      tpu.enqueue_indirect_dma source(%dma_start3A_96 : memref<128x16xf32, #tpu.memory_space<vmem>>) target(%dma_start3A_102 : memref<100096x16xf32, #tpu.memory_space<vmem_shared>>) offsets(%dma_start3A_99 : memref<128xi32, #tpu.memory_space<vmem>>) semaphore(%arg10 : memref<!tpu.dma_semaphore, #tpu.memory_space<semaphore_mem>>) {add = true}
      %dma_start3A_103 = arith.constant 3 : i32
      %dma_start3A_104 = arith.constant 384 : i32
      %dma_start3A_105 = arith.constant 0 : i32
      %dma_start3A_106 = tpu.memref_slice %arg7[%dma_start3A_104, %dma_start3A_105] : memref<1024x16xf32, #tpu.memory_space<vmem>> -> memref<128x16xf32, #tpu.memory_space<vmem>>
      %dma_start3A_107 = arith.constant 0 : i32
      %dma_start3A_108 = tpu.memref_slice %arg6[%dma_start3A_103, %dma_start3A_107] : memref<8x128xi32, #tpu.memory_space<vmem>> -> memref<1x128xi32, #tpu.memory_space<vmem>>
      %dma_start3A_109 = tpu.memref_squeeze %dma_start3A_108 : memref<1x128xi32, #tpu.memory_space<vmem>> -> memref<128xi32, #tpu.memory_space<vmem>>
      %dma_start3A_110 = arith.constant 0 : i32
      %dma_start3A_111 = arith.constant 0 : i32
      %dma_start3A_112 = tpu.memref_slice %arg8[%dma_start3A_110, %dma_start3A_111] : memref<100096x16xf32, #tpu.memory_space<vmem_shared>> -> memref<100096x16xf32, #tpu.memory_space<vmem_shared>>
      tpu.enqueue_indirect_dma source(%dma_start3A_106 : memref<128x16xf32, #tpu.memory_space<vmem>>) target(%dma_start3A_112 : memref<100096x16xf32, #tpu.memory_space<vmem_shared>>) offsets(%dma_start3A_109 : memref<128xi32, #tpu.memory_space<vmem>>) semaphore(%arg10 : memref<!tpu.dma_semaphore, #tpu.memory_space<semaphore_mem>>) {add = true}
      %dma_start3A_113 = arith.constant 4 : i32
      %dma_start3A_114 = arith.constant 512 : i32
      %dma_start3A_115 = arith.constant 0 : i32
      %dma_start3A_116 = tpu.memref_slice %arg7[%dma_start3A_114, %dma_start3A_115] : memref<1024x16xf32, #tpu.memory_space<vmem>> -> memref<128x16xf32, #tpu.memory_space<vmem>>
      %dma_start3A_117 = arith.constant 0 : i32
      %dma_start3A_118 = tpu.memref_slice %arg6[%dma_start3A_113, %dma_start3A_117] : memref<8x128xi32, #tpu.memory_space<vmem>> -> memref<1x128xi32, #tpu.memory_space<vmem>>
      %dma_start3A_119 = tpu.memref_squeeze %dma_start3A_118 : memref<1x128xi32, #tpu.memory_space<vmem>> -> memref<128xi32, #tpu.memory_space<vmem>>
      %dma_start3A_120 = arith.constant 0 : i32
      %dma_start3A_121 = arith.constant 0 : i32
      %dma_start3A_122 = tpu.memref_slice %arg8[%dma_start3A_120, %dma_start3A_121] : memref<100096x16xf32, #tpu.memory_space<vmem_shared>> -> memref<100096x16xf32, #tpu.memory_space<vmem_shared>>
      tpu.enqueue_indirect_dma source(%dma_start3A_116 : memref<128x16xf32, #tpu.memory_space<vmem>>) target(%dma_start3A_122 : memref<100096x16xf32, #tpu.memory_space<vmem_shared>>) offsets(%dma_start3A_119 : memref<128xi32, #tpu.memory_space<vmem>>) semaphore(%arg10 : memref<!tpu.dma_semaphore, #tpu.memory_space<semaphore_mem>>) {add = true}
      %dma_start3A_123 = arith.constant 5 : i32
      %dma_start3A_124 = arith.constant 640 : i32
      %dma_start3A_125 = arith.constant 0 : i32
      %dma_start3A_126 = tpu.memref_slice %arg7[%dma_start3A_124, %dma_start3A_125] : memref<1024x16xf32, #tpu.memory_space<vmem>> -> memref<128x16xf32, #tpu.memory_space<vmem>>
      %dma_start3A_127 = arith.constant 0 : i32
      %dma_start3A_128 = tpu.memref_slice %arg6[%dma_start3A_123, %dma_start3A_127] : memref<8x128xi32, #tpu.memory_space<vmem>> -> memref<1x128xi32, #tpu.memory_space<vmem>>
      %dma_start3A_129 = tpu.memref_squeeze %dma_start3A_128 : memref<1x128xi32, #tpu.memory_space<vmem>> -> memref<128xi32, #tpu.memory_space<vmem>>
      %dma_start3A_130 = arith.constant 0 : i32
      %dma_start3A_131 = arith.constant 0 : i32
      %dma_start3A_132 = tpu.memref_slice %arg8[%dma_start3A_130, %dma_start3A_131] : memref<100096x16xf32, #tpu.memory_space<vmem_shared>> -> memref<100096x16xf32, #tpu.memory_space<vmem_shared>>
      tpu.enqueue_indirect_dma source(%dma_start3A_126 : memref<128x16xf32, #tpu.memory_space<vmem>>) target(%dma_start3A_132 : memref<100096x16xf32, #tpu.memory_space<vmem_shared>>) offsets(%dma_start3A_129 : memref<128xi32, #tpu.memory_space<vmem>>) semaphore(%arg10 : memref<!tpu.dma_semaphore, #tpu.memory_space<semaphore_mem>>) {add = true}
      %dma_start3A_133 = arith.constant 6 : i32
      %dma_start3A_134 = arith.constant 768 : i32
      %dma_start3A_135 = arith.constant 0 : i32
      %dma_start3A_136 = tpu.memref_slice %arg7[%dma_start3A_134, %dma_start3A_135] : memref<1024x16xf32, #tpu.memory_space<vmem>> -> memref<128x16xf32, #tpu.memory_space<vmem>>
      %dma_start3A_137 = arith.constant 0 : i32
      %dma_start3A_138 = tpu.memref_slice %arg6[%dma_start3A_133, %dma_start3A_137] : memref<8x128xi32, #tpu.memory_space<vmem>> -> memref<1x128xi32, #tpu.memory_space<vmem>>
      %dma_start3A_139 = tpu.memref_squeeze %dma_start3A_138 : memref<1x128xi32, #tpu.memory_space<vmem>> -> memref<128xi32, #tpu.memory_space<vmem>>
      %dma_start3A_140 = arith.constant 0 : i32
      %dma_start3A_141 = arith.constant 0 : i32
      %dma_start3A_142 = tpu.memref_slice %arg8[%dma_start3A_140, %dma_start3A_141] : memref<100096x16xf32, #tpu.memory_space<vmem_shared>> -> memref<100096x16xf32, #tpu.memory_space<vmem_shared>>
      tpu.enqueue_indirect_dma source(%dma_start3A_136 : memref<128x16xf32, #tpu.memory_space<vmem>>) target(%dma_start3A_142 : memref<100096x16xf32, #tpu.memory_space<vmem_shared>>) offsets(%dma_start3A_139 : memref<128xi32, #tpu.memory_space<vmem>>) semaphore(%arg10 : memref<!tpu.dma_semaphore, #tpu.memory_space<semaphore_mem>>) {add = true}
      %dma_start3A_143 = arith.constant 7 : i32
      %dma_start3A_144 = arith.constant 896 : i32
      %dma_start3A_145 = arith.constant 0 : i32
      %dma_start3A_146 = tpu.memref_slice %arg7[%dma_start3A_144, %dma_start3A_145] : memref<1024x16xf32, #tpu.memory_space<vmem>> -> memref<128x16xf32, #tpu.memory_space<vmem>>
      %dma_start3A_147 = arith.constant 0 : i32
      %dma_start3A_148 = tpu.memref_slice %arg6[%dma_start3A_143, %dma_start3A_147] : memref<8x128xi32, #tpu.memory_space<vmem>> -> memref<1x128xi32, #tpu.memory_space<vmem>>
      %dma_start3A_149 = tpu.memref_squeeze %dma_start3A_148 : memref<1x128xi32, #tpu.memory_space<vmem>> -> memref<128xi32, #tpu.memory_space<vmem>>
      %dma_start3A_150 = arith.constant 0 : i32
      %dma_start3A_151 = arith.constant 0 : i32
      %dma_start3A_152 = tpu.memref_slice %arg8[%dma_start3A_150, %dma_start3A_151] : memref<100096x16xf32, #tpu.memory_space<vmem_shared>> -> memref<100096x16xf32, #tpu.memory_space<vmem_shared>>
      tpu.enqueue_indirect_dma source(%dma_start3A_146 : memref<128x16xf32, #tpu.memory_space<vmem>>) target(%dma_start3A_152 : memref<100096x16xf32, #tpu.memory_space<vmem_shared>>) offsets(%dma_start3A_149 : memref<128xi32, #tpu.memory_space<vmem>>) semaphore(%arg10 : memref<!tpu.dma_semaphore, #tpu.memory_space<semaphore_mem>>) {add = true}
      %dma_wait3A_153 = arith.constant 0 : i32
      %dma_wait3A_154 = arith.constant 0 : i32
      %dma_wait3A_155 = arith.constant 0 : i32
      %dma_wait3A_156 = tpu.memref_slice %arg7[%dma_wait3A_154, %dma_wait3A_155] : memref<1024x16xf32, #tpu.memory_space<vmem>> -> memref<128x16xf32, #tpu.memory_space<vmem>>
      %dma_wait3A_157 = arith.constant 0 : i32
      %dma_wait3A_158 = tpu.memref_slice %arg6[%dma_wait3A_153, %dma_wait3A_157] : memref<8x128xi32, #tpu.memory_space<vmem>> -> memref<1x128xi32, #tpu.memory_space<vmem>>
      %dma_wait3A_159 = tpu.memref_squeeze %dma_wait3A_158 : memref<1x128xi32, #tpu.memory_space<vmem>> -> memref<128xi32, #tpu.memory_space<vmem>>
      %dma_wait3A_160 = arith.constant 0 : i32
      %dma_wait3A_161 = arith.constant 0 : i32
      %dma_wait3A_162 = tpu.memref_slice %arg8[%dma_wait3A_160, %dma_wait3A_161] : memref<100096x16xf32, #tpu.memory_space<vmem_shared>> -> memref<100096x16xf32, #tpu.memory_space<vmem_shared>>
      tpu.wait_indirect_dma semaphore(%arg10 : memref<!tpu.dma_semaphore, #tpu.memory_space<semaphore_mem>>) src(%dma_wait3A_156 : memref<128x16xf32, #tpu.memory_space<vmem>>) dst(%dma_wait3A_162 : memref<100096x16xf32, #tpu.memory_space<vmem_shared>>)
      %dma_wait3A_163 = arith.constant 1 : i32
      %dma_wait3A_164 = arith.constant 128 : i32
      %dma_wait3A_165 = arith.constant 0 : i32
      %dma_wait3A_166 = tpu.memref_slice %arg7[%dma_wait3A_164, %dma_wait3A_165] : memref<1024x16xf32, #tpu.memory_space<vmem>> -> memref<128x16xf32, #tpu.memory_space<vmem>>
      %dma_wait3A_167 = arith.constant 0 : i32
      %dma_wait3A_168 = tpu.memref_slice %arg6[%dma_wait3A_163, %dma_wait3A_167] : memref<8x128xi32, #tpu.memory_space<vmem>> -> memref<1x128xi32, #tpu.memory_space<vmem>>
      %dma_wait3A_169 = tpu.memref_squeeze %dma_wait3A_168 : memref<1x128xi32, #tpu.memory_space<vmem>> -> memref<128xi32, #tpu.memory_space<vmem>>
      %dma_wait3A_170 = arith.constant 0 : i32
      %dma_wait3A_171 = arith.constant 0 : i32
      %dma_wait3A_172 = tpu.memref_slice %arg8[%dma_wait3A_170, %dma_wait3A_171] : memref<100096x16xf32, #tpu.memory_space<vmem_shared>> -> memref<100096x16xf32, #tpu.memory_space<vmem_shared>>
      tpu.wait_indirect_dma semaphore(%arg10 : memref<!tpu.dma_semaphore, #tpu.memory_space<semaphore_mem>>) src(%dma_wait3A_166 : memref<128x16xf32, #tpu.memory_space<vmem>>) dst(%dma_wait3A_172 : memref<100096x16xf32, #tpu.memory_space<vmem_shared>>)
      %dma_wait3A_173 = arith.constant 2 : i32
      %dma_wait3A_174 = arith.constant 256 : i32
      %dma_wait3A_175 = arith.constant 0 : i32
      %dma_wait3A_176 = tpu.memref_slice %arg7[%dma_wait3A_174, %dma_wait3A_175] : memref<1024x16xf32, #tpu.memory_space<vmem>> -> memref<128x16xf32, #tpu.memory_space<vmem>>
      %dma_wait3A_177 = arith.constant 0 : i32
      %dma_wait3A_178 = tpu.memref_slice %arg6[%dma_wait3A_173, %dma_wait3A_177] : memref<8x128xi32, #tpu.memory_space<vmem>> -> memref<1x128xi32, #tpu.memory_space<vmem>>
      %dma_wait3A_179 = tpu.memref_squeeze %dma_wait3A_178 : memref<1x128xi32, #tpu.memory_space<vmem>> -> memref<128xi32, #tpu.memory_space<vmem>>
      %dma_wait3A_180 = arith.constant 0 : i32
      %dma_wait3A_181 = arith.constant 0 : i32
      %dma_wait3A_182 = tpu.memref_slice %arg8[%dma_wait3A_180, %dma_wait3A_181] : memref<100096x16xf32, #tpu.memory_space<vmem_shared>> -> memref<100096x16xf32, #tpu.memory_space<vmem_shared>>
      tpu.wait_indirect_dma semaphore(%arg10 : memref<!tpu.dma_semaphore, #tpu.memory_space<semaphore_mem>>) src(%dma_wait3A_176 : memref<128x16xf32, #tpu.memory_space<vmem>>) dst(%dma_wait3A_182 : memref<100096x16xf32, #tpu.memory_space<vmem_shared>>)
      %dma_wait3A_183 = arith.constant 3 : i32
      %dma_wait3A_184 = arith.constant 384 : i32
      %dma_wait3A_185 = arith.constant 0 : i32
      %dma_wait3A_186 = tpu.memref_slice %arg7[%dma_wait3A_184, %dma_wait3A_185] : memref<1024x16xf32, #tpu.memory_space<vmem>> -> memref<128x16xf32, #tpu.memory_space<vmem>>
      %dma_wait3A_187 = arith.constant 0 : i32
      %dma_wait3A_188 = tpu.memref_slice %arg6[%dma_wait3A_183, %dma_wait3A_187] : memref<8x128xi32, #tpu.memory_space<vmem>> -> memref<1x128xi32, #tpu.memory_space<vmem>>
      %dma_wait3A_189 = tpu.memref_squeeze %dma_wait3A_188 : memref<1x128xi32, #tpu.memory_space<vmem>> -> memref<128xi32, #tpu.memory_space<vmem>>
      %dma_wait3A_190 = arith.constant 0 : i32
      %dma_wait3A_191 = arith.constant 0 : i32
      %dma_wait3A_192 = tpu.memref_slice %arg8[%dma_wait3A_190, %dma_wait3A_191] : memref<100096x16xf32, #tpu.memory_space<vmem_shared>> -> memref<100096x16xf32, #tpu.memory_space<vmem_shared>>
      tpu.wait_indirect_dma semaphore(%arg10 : memref<!tpu.dma_semaphore, #tpu.memory_space<semaphore_mem>>) src(%dma_wait3A_186 : memref<128x16xf32, #tpu.memory_space<vmem>>) dst(%dma_wait3A_192 : memref<100096x16xf32, #tpu.memory_space<vmem_shared>>)
      %dma_wait3A_193 = arith.constant 4 : i32
      %dma_wait3A_194 = arith.constant 512 : i32
      %dma_wait3A_195 = arith.constant 0 : i32
      %dma_wait3A_196 = tpu.memref_slice %arg7[%dma_wait3A_194, %dma_wait3A_195] : memref<1024x16xf32, #tpu.memory_space<vmem>> -> memref<128x16xf32, #tpu.memory_space<vmem>>
      %dma_wait3A_197 = arith.constant 0 : i32
      %dma_wait3A_198 = tpu.memref_slice %arg6[%dma_wait3A_193, %dma_wait3A_197] : memref<8x128xi32, #tpu.memory_space<vmem>> -> memref<1x128xi32, #tpu.memory_space<vmem>>
      %dma_wait3A_199 = tpu.memref_squeeze %dma_wait3A_198 : memref<1x128xi32, #tpu.memory_space<vmem>> -> memref<128xi32, #tpu.memory_space<vmem>>
      %dma_wait3A_200 = arith.constant 0 : i32
      %dma_wait3A_201 = arith.constant 0 : i32
      %dma_wait3A_202 = tpu.memref_slice %arg8[%dma_wait3A_200, %dma_wait3A_201] : memref<100096x16xf32, #tpu.memory_space<vmem_shared>> -> memref<100096x16xf32, #tpu.memory_space<vmem_shared>>
      tpu.wait_indirect_dma semaphore(%arg10 : memref<!tpu.dma_semaphore, #tpu.memory_space<semaphore_mem>>) src(%dma_wait3A_196 : memref<128x16xf32, #tpu.memory_space<vmem>>) dst(%dma_wait3A_202 : memref<100096x16xf32, #tpu.memory_space<vmem_shared>>)
      %dma_wait3A_203 = arith.constant 5 : i32
      %dma_wait3A_204 = arith.constant 640 : i32
      %dma_wait3A_205 = arith.constant 0 : i32
      %dma_wait3A_206 = tpu.memref_slice %arg7[%dma_wait3A_204, %dma_wait3A_205] : memref<1024x16xf32, #tpu.memory_space<vmem>> -> memref<128x16xf32, #tpu.memory_space<vmem>>
      %dma_wait3A_207 = arith.constant 0 : i32
      %dma_wait3A_208 = tpu.memref_slice %arg6[%dma_wait3A_203, %dma_wait3A_207] : memref<8x128xi32, #tpu.memory_space<vmem>> -> memref<1x128xi32, #tpu.memory_space<vmem>>
      %dma_wait3A_209 = tpu.memref_squeeze %dma_wait3A_208 : memref<1x128xi32, #tpu.memory_space<vmem>> -> memref<128xi32, #tpu.memory_space<vmem>>
      %dma_wait3A_210 = arith.constant 0 : i32
      %dma_wait3A_211 = arith.constant 0 : i32
      %dma_wait3A_212 = tpu.memref_slice %arg8[%dma_wait3A_210, %dma_wait3A_211] : memref<100096x16xf32, #tpu.memory_space<vmem_shared>> -> memref<100096x16xf32, #tpu.memory_space<vmem_shared>>
      tpu.wait_indirect_dma semaphore(%arg10 : memref<!tpu.dma_semaphore, #tpu.memory_space<semaphore_mem>>) src(%dma_wait3A_206 : memref<128x16xf32, #tpu.memory_space<vmem>>) dst(%dma_wait3A_212 : memref<100096x16xf32, #tpu.memory_space<vmem_shared>>)
      %dma_wait3A_213 = arith.constant 6 : i32
      %dma_wait3A_214 = arith.constant 768 : i32
      %dma_wait3A_215 = arith.constant 0 : i32
      %dma_wait3A_216 = tpu.memref_slice %arg7[%dma_wait3A_214, %dma_wait3A_215] : memref<1024x16xf32, #tpu.memory_space<vmem>> -> memref<128x16xf32, #tpu.memory_space<vmem>>
      %dma_wait3A_217 = arith.constant 0 : i32
      %dma_wait3A_218 = tpu.memref_slice %arg6[%dma_wait3A_213, %dma_wait3A_217] : memref<8x128xi32, #tpu.memory_space<vmem>> -> memref<1x128xi32, #tpu.memory_space<vmem>>
      %dma_wait3A_219 = tpu.memref_squeeze %dma_wait3A_218 : memref<1x128xi32, #tpu.memory_space<vmem>> -> memref<128xi32, #tpu.memory_space<vmem>>
      %dma_wait3A_220 = arith.constant 0 : i32
      %dma_wait3A_221 = arith.constant 0 : i32
      %dma_wait3A_222 = tpu.memref_slice %arg8[%dma_wait3A_220, %dma_wait3A_221] : memref<100096x16xf32, #tpu.memory_space<vmem_shared>> -> memref<100096x16xf32, #tpu.memory_space<vmem_shared>>
      tpu.wait_indirect_dma semaphore(%arg10 : memref<!tpu.dma_semaphore, #tpu.memory_space<semaphore_mem>>) src(%dma_wait3A_216 : memref<128x16xf32, #tpu.memory_space<vmem>>) dst(%dma_wait3A_222 : memref<100096x16xf32, #tpu.memory_space<vmem_shared>>)
      %dma_wait3A_223 = arith.constant 7 : i32
      %dma_wait3A_224 = arith.constant 896 : i32
      %dma_wait3A_225 = arith.constant 0 : i32
      %dma_wait3A_226 = tpu.memref_slice %arg7[%dma_wait3A_224, %dma_wait3A_225] : memref<1024x16xf32, #tpu.memory_space<vmem>> -> memref<128x16xf32, #tpu.memory_space<vmem>>
      %dma_wait3A_227 = arith.constant 0 : i32
      %dma_wait3A_228 = tpu.memref_slice %arg6[%dma_wait3A_223, %dma_wait3A_227] : memref<8x128xi32, #tpu.memory_space<vmem>> -> memref<1x128xi32, #tpu.memory_space<vmem>>
      %dma_wait3A_229 = tpu.memref_squeeze %dma_wait3A_228 : memref<1x128xi32, #tpu.memory_space<vmem>> -> memref<128xi32, #tpu.memory_space<vmem>>
      %dma_wait3A_230 = arith.constant 0 : i32
      %dma_wait3A_231 = arith.constant 0 : i32
      %dma_wait3A_232 = tpu.memref_slice %arg8[%dma_wait3A_230, %dma_wait3A_231] : memref<100096x16xf32, #tpu.memory_space<vmem_shared>> -> memref<100096x16xf32, #tpu.memory_space<vmem_shared>>
      tpu.wait_indirect_dma semaphore(%arg10 : memref<!tpu.dma_semaphore, #tpu.memory_space<semaphore_mem>>) src(%dma_wait3A_226 : memref<128x16xf32, #tpu.memory_space<vmem>>) dst(%dma_wait3A_232 : memref<100096x16xf32, #tpu.memory_space<vmem_shared>>)
      %while3A_233 = arith.constant 0 : i32
      scf.yield %while3A_233 : i32
    }
    %barrier3A_44 = arith.constant 0 : index
    tpu.barrier barrier_id(%barrier3A_44)
    %eq3A = arith.constant 0 : i32
    %eq3A_45 = arith.cmpi eq, %arg0, %eq3A : i32
    %convert_element_type3A = arith.extui %eq3A_45 : i1 to i32
    %cond3A = arith.constant 0 : i32
    %cond3A_46 = arith.cmpi ne, %convert_element_type3A, %cond3A : i32
    scf.if %cond3A_46 {
      "tpu.region"() ({
        %run_scoped3A = tpu.sem_alloc : memref<!tpu.dma_semaphore, #tpu.memory_space<semaphore_mem>>
        %dma_start3A = arith.constant 0 : i32
        %dma_start3A_52 = tpu.memref_slice %arg4[%mul3A_8, %dma_start3A] : memref<100096x16xf32, #tpu.memory_space<hbm>> -> memref<6256x16xf32, #tpu.memory_space<hbm>>
        %dma_start3A_53 = arith.constant 0 : i32
        %dma_start3A_54 = tpu.memref_slice %arg8[%mul3A_8, %dma_start3A_53] : memref<100096x16xf32, #tpu.memory_space<vmem_shared>> -> memref<6256x16xf32, #tpu.memory_space<vmem_shared>>
        tpu.enqueue_dma source(%dma_start3A_54 : memref<6256x16xf32, #tpu.memory_space<vmem_shared>>) target(%dma_start3A_52 : memref<6256x16xf32, #tpu.memory_space<hbm>>) target_semaphore(%run_scoped3A : memref<!tpu.dma_semaphore, #tpu.memory_space<semaphore_mem>>)
        %dma_wait3A = arith.constant 0 : i32
        %dma_wait3A_55 = tpu.memref_slice %arg4[%mul3A_8, %dma_wait3A] : memref<100096x16xf32, #tpu.memory_space<hbm>> -> memref<6256x16xf32, #tpu.memory_space<hbm>>
        %dma_wait3A_56 = arith.constant 0 : i32
        %dma_wait3A_57 = tpu.memref_slice %arg8[%mul3A_8, %dma_wait3A_56] : memref<100096x16xf32, #tpu.memory_space<vmem_shared>> -> memref<6256x16xf32, #tpu.memory_space<vmem_shared>>
        tpu.wait_dma2 semaphore(%run_scoped3A : memref<!tpu.dma_semaphore, #tpu.memory_space<semaphore_mem>>) src(%dma_wait3A_57 : memref<6256x16xf32, #tpu.memory_space<vmem_shared>>) dst(%dma_wait3A_55 : memref<6256x16xf32, #tpu.memory_space<hbm>>)
        tpu.yield
      }) : () -> ()
    } else {
    }
    %eq3A_47 = arith.constant 1 : i32
    %eq3A_48 = arith.cmpi eq, %arg0, %eq3A_47 : i32
    %convert_element_type3A_49 = arith.extui %eq3A_48 : i1 to i32
    %cond3A_50 = arith.constant 0 : i32
    %cond3A_51 = arith.cmpi ne, %convert_element_type3A_49, %cond3A_50 : i32
    scf.if %cond3A_51 {
      "tpu.region"() ({
        %run_scoped3A = tpu.sem_alloc : memref<!tpu.dma_semaphore, #tpu.memory_space<semaphore_mem>>
        %dma_start3A = arith.constant 0 : i32
        %dma_start3A_52 = tpu.memref_slice %arg5[%mul3A_8, %dma_start3A] : memref<100096x16xf32, #tpu.memory_space<hbm>> -> memref<6256x16xf32, #tpu.memory_space<hbm>>
        %dma_start3A_53 = arith.constant 0 : i32
        %dma_start3A_54 = tpu.memref_slice %arg8[%mul3A_8, %dma_start3A_53] : memref<100096x16xf32, #tpu.memory_space<vmem_shared>> -> memref<6256x16xf32, #tpu.memory_space<vmem_shared>>
        tpu.enqueue_dma source(%dma_start3A_54 : memref<6256x16xf32, #tpu.memory_space<vmem_shared>>) target(%dma_start3A_52 : memref<6256x16xf32, #tpu.memory_space<hbm>>) target_semaphore(%run_scoped3A : memref<!tpu.dma_semaphore, #tpu.memory_space<semaphore_mem>>)
        %dma_wait3A = arith.constant 0 : i32
        %dma_wait3A_55 = tpu.memref_slice %arg5[%mul3A_8, %dma_wait3A] : memref<100096x16xf32, #tpu.memory_space<hbm>> -> memref<6256x16xf32, #tpu.memory_space<hbm>>
        %dma_wait3A_56 = arith.constant 0 : i32
        %dma_wait3A_57 = tpu.memref_slice %arg8[%mul3A_8, %dma_wait3A_56] : memref<100096x16xf32, #tpu.memory_space<vmem_shared>> -> memref<6256x16xf32, #tpu.memory_space<vmem_shared>>
        tpu.wait_dma2 semaphore(%run_scoped3A : memref<!tpu.dma_semaphore, #tpu.memory_space<semaphore_mem>>) src(%dma_wait3A_57 : memref<6256x16xf32, #tpu.memory_space<vmem_shared>>) dst(%dma_wait3A_55 : memref<6256x16xf32, #tpu.memory_space<hbm>>)
        tpu.yield
      }) : () -> ()
    } else {
    }
    return
  }
}

module attributes {stable_mosaic.version = 14 : i64} {
  func.func @_extract_body(%arg0: i32, %arg1: memref<2x128000xi32, #tpu.memory_space<vmem>>, %arg2: memref<1000x128xi32, #tpu.memory_space<vmem>>) attributes {dimension_semantics = [#tpu.dimension_semantics<arbitrary>], iteration_bounds = array<i64: 25>, scalar_prefetch = 0 : i64, scratch_operands = 0 : i64, tpu.core_type = #tpu.core_type<tc>, window_params = [{transform_indices = @transform_0, window_bounds = array<i64: 2, 128000>}, {transform_indices = @transform_1, window_bounds = array<i64: 1000, 128>}]} {
    %get3A = arith.constant 1 : index
    %get3A_0 = arith.constant 0 : index
    %get3A_1 = vector.load %arg1[%get3A, %get3A_0] : memref<2x128000xi32, #tpu.memory_space<vmem>>, vector<1x128000xi32>
    %get3A_2 = vector.shape_cast %get3A_1 : vector<1x128000xi32> to vector<128000xi32>
    %reshape3A = vector.shape_cast %get3A_2 : vector<128000xi32> to vector<1000x128xi32>
    %swap3A = arith.constant 0 : index
    %swap3A_3 = arith.constant 0 : index
    %swap3A_4 = vector.load %arg2[%swap3A, %swap3A_3] : memref<1000x128xi32, #tpu.memory_space<vmem>>, vector<1000x128xi32>
    tpu.vector_store %arg2[%swap3A, %swap3A_3], %reshape3A {strides = array<i32>} : memref<1000x128xi32, #tpu.memory_space<vmem>>, vector<1000x128xi32>,
    return
  }
  func.func @transform_0(%arg0: i32) -> (i32, i32) {
    %c0_i32 = arith.constant 0 : i32
    %c0_i32_0 = arith.constant 0 : i32
    return %c0_i32, %arg0 : i32, i32
  }
  func.func @transform_1(%arg0: i32) -> (i32, i32) {
    %c0_i32 = arith.constant 0 : i32
    %c0_i32_0 = arith.constant 0 : i32
    return %arg0, %c0_i32 : i32, i32
  }
}

module attributes {stable_mosaic.version = 14 : i64} {
  func.func @_mlp_body(%arg0: i32, %arg1: memref<2048x128xf32, #tpu.memory_space<vmem>>, %arg2: memref<256x128xf32, #tpu.memory_space<vmem>>, %arg3: memref<256x128xf32, #tpu.memory_space<vmem>>, %arg4: memref<1x16xf32, #tpu.memory_space<vmem>>, %arg5: memref<128x128xf32, #tpu.memory_space<vmem>>, %arg6: memref<128x1024xf32, #tpu.memory_space<vmem>>, %arg7: memref<16x128xf32, #tpu.memory_space<vmem>>, %arg8: memref<1x128xf32, #tpu.memory_space<vmem>>, %arg9: memref<128x128xf32, #tpu.memory_space<vmem>>, %arg10: memref<1x128xf32, #tpu.memory_space<vmem>>, %arg11: memref<128x128xf32, #tpu.memory_space<vmem>>, %arg12: memref<1x128xf32, #tpu.memory_space<vmem>>, %arg13: memref<128x128xf32, #tpu.memory_space<vmem>>, %arg14: memref<1x128xf32, #tpu.memory_space<vmem>>, %arg15: memref<2048x128xf32, #tpu.memory_space<vmem>>) attributes {dimension_semantics = [#tpu.dimension_semantics<arbitrary>], iteration_bounds = array<i64: 49>, scalar_prefetch = 0 : i64, scratch_operands = 0 : i64, tpu.core_type = #tpu.core_type<tc>, window_params = [{transform_indices = @transform_0, window_bounds = array<i64: 2048, 128>}, {transform_indices = @transform_1, window_bounds = array<i64: 256, 128>}, {transform_indices = @transform_2, window_bounds = array<i64: 256, 128>}, {pipeline_mode = #tpu.pipeline_mode<synchronous>, transform_indices = @transform_3, window_bounds = array<i64: 1, 16>}, {pipeline_mode = #tpu.pipeline_mode<synchronous>, transform_indices = @transform_4, window_bounds = array<i64: 128, 128>}, {pipeline_mode = #tpu.pipeline_mode<synchronous>, transform_indices = @transform_5, window_bounds = array<i64: 128, 1024>}, {pipeline_mode = #tpu.pipeline_mode<synchronous>, transform_indices = @transform_6, window_bounds = array<i64: 16, 128>}, {pipeline_mode = #tpu.pipeline_mode<synchronous>, transform_indices = @transform_7, window_bounds = array<i64: 1, 128>}, {pipeline_mode = #tpu.pipeline_mode<synchronous>, transform_indices = @transform_8, window_bounds = array<i64: 128, 128>}, {pipeline_mode = #tpu.pipeline_mode<synchronous>, transform_indices = @transform_9, window_bounds = array<i64: 1, 128>}, {pipeline_mode = #tpu.pipeline_mode<synchronous>, transform_indices = @transform_10, window_bounds = array<i64: 128, 128>}, {pipeline_mode = #tpu.pipeline_mode<synchronous>, transform_indices = @transform_11, window_bounds = array<i64: 1, 128>}, {pipeline_mode = #tpu.pipeline_mode<synchronous>, transform_indices = @transform_12, window_bounds = array<i64: 128, 128>}, {pipeline_mode = #tpu.pipeline_mode<synchronous>, transform_indices = @transform_13, window_bounds = array<i64: 1, 128>}, {transform_indices = @transform_14, window_bounds = array<i64: 2048, 128>}]} {
    %get3A = arith.constant 0 : index
    %get3A_0 = arith.constant 0 : index
    %get3A_1 = vector.load %arg2[%get3A, %get3A_0] : memref<256x128xf32, #tpu.memory_space<vmem>>, vector<256x128xf32>
    %get3A_2 = arith.constant 0 : index
    %get3A_3 = arith.constant 0 : index
    %get3A_4 = vector.load %arg3[%get3A_2, %get3A_3] : memref<256x128xf32, #tpu.memory_space<vmem>>, vector<256x128xf32>
    %add3A = arith.addf %get3A_1, %get3A_4 : vector<256x128xf32>
    %get3A_5 = arith.constant 0 : index
    %get3A_6 = arith.constant 0 : index
    %get3A_7 = vector.load %arg6[%get3A_5, %get3A_6] : memref<128x1024xf32, #tpu.memory_space<vmem>>, vector<128x1024xf32>
    %dot_general3A = arith.constant dense<0.000000e+00> : vector<256x1024xf32>
    %dot_general3A_8 = tpu.matmul %add3A, %get3A_7, %dot_general3A {dimension_numbers = #tpu.dot_dimension_numbers<[1], [0], [0], [1], [0, 0, 1, 1], [], []>, transpose_lhs_hint = false} : vector<256x128xf32>, vector<128x1024xf32>, vector<256x1024xf32> -> vector<256x1024xf32>
    %reshape3A = vector.shape_cast %dot_general3A_8 : vector<256x1024xf32> to vector<256x8x128xf32>
    %reshape3A_9 = vector.shape_cast %reshape3A : vector<256x8x128xf32> to vector<2048x128xf32>
    %get3A_10 = arith.constant 0 : index
    %get3A_11 = arith.constant 0 : index
    %get3A_12 = vector.load %arg4[%get3A_10, %get3A_11] : memref<1x16xf32, #tpu.memory_space<vmem>>, vector<1x16xf32>
    %get3A_13 = arith.constant 0 : index
    %get3A_14 = arith.constant 0 : index
    %get3A_15 = vector.load %arg7[%get3A_13, %get3A_14] : memref<16x128xf32, #tpu.memory_space<vmem>>, vector<16x128xf32>
    %dot_general3A_16 = arith.constant dense<0.000000e+00> : vector<1x128xf32>
    %dot_general3A_17 = tpu.matmul %get3A_12, %get3A_15, %dot_general3A_16 {dimension_numbers = #tpu.dot_dimension_numbers<[1], [0], [0], [1], [0, 0, 1, 1], [], []>, transpose_lhs_hint = false} : vector<1x16xf32>, vector<16x128xf32>, vector<1x128xf32> -> vector<1x128xf32>
    %get3A_18 = arith.constant 0 : index
    %get3A_19 = arith.constant 0 : index
    %get3A_20 = vector.load %arg8[%get3A_18, %get3A_19] : memref<1x128xf32, #tpu.memory_space<vmem>>, vector<1x128xf32>
    %add3A_21 = arith.addf %dot_general3A_17, %get3A_20 : vector<1x128xf32>
    %get3A_22 = arith.constant 0 : index
    %get3A_23 = arith.constant 0 : index
    %get3A_24 = vector.load %arg1[%get3A_22, %get3A_23] : memref<2048x128xf32, #tpu.memory_space<vmem>>, vector<2048x128xf32>
    %get3A_25 = arith.constant 0 : index
    %get3A_26 = arith.constant 0 : index
    %get3A_27 = vector.load %arg5[%get3A_25, %get3A_26] : memref<128x128xf32, #tpu.memory_space<vmem>>, vector<128x128xf32>
    %dot_general3A_28 = arith.constant dense<0.000000e+00> : vector<2048x128xf32>
    %dot_general3A_29 = tpu.matmul %get3A_24, %get3A_27, %dot_general3A_28 {dimension_numbers = #tpu.dot_dimension_numbers<[1], [0], [0], [1], [0, 0, 1, 1], [], []>, transpose_lhs_hint = false} : vector<2048x128xf32>, vector<128x128xf32>, vector<2048x128xf32> -> vector<2048x128xf32>
    %add3A_30 = arith.addf %dot_general3A_29, %reshape3A_9 : vector<2048x128xf32>
    %add3A_31 = vector.broadcast %add3A_21 : vector<1x128xf32> to vector<2048x128xf32>
    %add3A_32 = arith.addf %add3A_30, %add3A_31 : vector<2048x128xf32>
    %max3A = arith.constant 0.000000e+00 : f32
    %max3A_33 = vector.broadcast %max3A : f32 to vector<2048x128xf32>
    %max3A_34 = arith.maximumf %add3A_32, %max3A_33 : vector<2048x128xf32>
    %get3A_35 = arith.constant 0 : index
    %get3A_36 = arith.constant 0 : index
    %get3A_37 = vector.load %arg9[%get3A_35, %get3A_36] : memref<128x128xf32, #tpu.memory_space<vmem>>, vector<128x128xf32>
    %dot_general3A_38 = arith.constant dense<0.000000e+00> : vector<2048x128xf32>
    %dot_general3A_39 = tpu.matmul %max3A_34, %get3A_37, %dot_general3A_38 {dimension_numbers = #tpu.dot_dimension_numbers<[1], [0], [0], [1], [0, 0, 1, 1], [], []>, transpose_lhs_hint = false} : vector<2048x128xf32>, vector<128x128xf32>, vector<2048x128xf32> -> vector<2048x128xf32>
    %get3A_40 = arith.constant 0 : index
    %get3A_41 = arith.constant 0 : index
    %get3A_42 = vector.load %arg10[%get3A_40, %get3A_41] : memref<1x128xf32, #tpu.memory_space<vmem>>, vector<1x128xf32>
    %add3A_43 = vector.broadcast %get3A_42 : vector<1x128xf32> to vector<2048x128xf32>
    %add3A_44 = arith.addf %dot_general3A_39, %add3A_43 : vector<2048x128xf32>
    %max3A_45 = arith.constant 0.000000e+00 : f32
    %max3A_46 = vector.broadcast %max3A_45 : f32 to vector<2048x128xf32>
    %max3A_47 = arith.maximumf %add3A_44, %max3A_46 : vector<2048x128xf32>
    %get3A_48 = arith.constant 0 : index
    %get3A_49 = arith.constant 0 : index
    %get3A_50 = vector.load %arg11[%get3A_48, %get3A_49] : memref<128x128xf32, #tpu.memory_space<vmem>>, vector<128x128xf32>
    %dot_general3A_51 = arith.constant dense<0.000000e+00> : vector<2048x128xf32>
    %dot_general3A_52 = tpu.matmul %max3A_47, %get3A_50, %dot_general3A_51 {dimension_numbers = #tpu.dot_dimension_numbers<[1], [0], [0], [1], [0, 0, 1, 1], [], []>, transpose_lhs_hint = false} : vector<2048x128xf32>, vector<128x128xf32>, vector<2048x128xf32> -> vector<2048x128xf32>
    %get3A_53 = arith.constant 0 : index
    %get3A_54 = arith.constant 0 : index
    %get3A_55 = vector.load %arg12[%get3A_53, %get3A_54] : memref<1x128xf32, #tpu.memory_space<vmem>>, vector<1x128xf32>
    %add3A_56 = vector.broadcast %get3A_55 : vector<1x128xf32> to vector<2048x128xf32>
    %add3A_57 = arith.addf %dot_general3A_52, %add3A_56 : vector<2048x128xf32>
    %max3A_58 = arith.constant 0.000000e+00 : f32
    %max3A_59 = vector.broadcast %max3A_58 : f32 to vector<2048x128xf32>
    %max3A_60 = arith.maximumf %add3A_57, %max3A_59 : vector<2048x128xf32>
    %get3A_61 = arith.constant 0 : index
    %get3A_62 = arith.constant 0 : index
    %get3A_63 = vector.load %arg13[%get3A_61, %get3A_62] : memref<128x128xf32, #tpu.memory_space<vmem>>, vector<128x128xf32>
    %dot_general3A_64 = arith.constant dense<0.000000e+00> : vector<2048x128xf32>
    %dot_general3A_65 = tpu.matmul %max3A_60, %get3A_63, %dot_general3A_64 {dimension_numbers = #tpu.dot_dimension_numbers<[1], [0], [0], [1], [0, 0, 1, 1], [], []>, transpose_lhs_hint = false} : vector<2048x128xf32>, vector<128x128xf32>, vector<2048x128xf32> -> vector<2048x128xf32>
    %get3A_66 = arith.constant 0 : index
    %get3A_67 = arith.constant 0 : index
    %get3A_68 = vector.load %arg14[%get3A_66, %get3A_67] : memref<1x128xf32, #tpu.memory_space<vmem>>, vector<1x128xf32>
    %add3A_69 = vector.broadcast %get3A_68 : vector<1x128xf32> to vector<2048x128xf32>
    %add3A_70 = arith.addf %dot_general3A_65, %add3A_69 : vector<2048x128xf32>
    %swap3A = arith.constant 0 : index
    %swap3A_71 = arith.constant 0 : index
    %swap3A_72 = vector.load %arg15[%swap3A, %swap3A_71] : memref<2048x128xf32, #tpu.memory_space<vmem>>, vector<2048x128xf32>
    tpu.vector_store %arg15[%swap3A, %swap3A_71], %add3A_70 {strides = array<i32>} : memref<2048x128xf32, #tpu.memory_space<vmem>>, vector<2048x128xf32>,
    return
  }
  func.func @transform_0(%arg0: i32) -> (i32, i32) {
    %c0_i32 = arith.constant 0 : i32
    %c0_i32_0 = arith.constant 0 : i32
    return %arg0, %c0_i32 : i32, i32
  }
  func.func @transform_1(%arg0: i32) -> (i32, i32) {
    %c0_i32 = arith.constant 0 : i32
    %c0_i32_0 = arith.constant 0 : i32
    return %arg0, %c0_i32 : i32, i32
  }
  func.func @transform_2(%arg0: i32) -> (i32, i32) {
    %c0_i32 = arith.constant 0 : i32
    %c0_i32_0 = arith.constant 0 : i32
    return %arg0, %c0_i32 : i32, i32
  }
  func.func @transform_3(%arg0: i32) -> (i32, i32) {
    %c0_i32 = arith.constant 0 : i32
    %c0_i32_0 = arith.constant 0 : i32
    %c0_i32_1 = arith.constant 0 : i32
    return %c0_i32, %c0_i32_0 : i32, i32
  }
  func.func @transform_4(%arg0: i32) -> (i32, i32) {
    %c0_i32 = arith.constant 0 : i32
    %c0_i32_0 = arith.constant 0 : i32
    %c0_i32_1 = arith.constant 0 : i32
    return %c0_i32, %c0_i32_0 : i32, i32
  }
  func.func @transform_5(%arg0: i32) -> (i32, i32) {
    %c0_i32 = arith.constant 0 : i32
    %c0_i32_0 = arith.constant 0 : i32
    %c0_i32_1 = arith.constant 0 : i32
    return %c0_i32, %c0_i32_0 : i32, i32
  }
  func.func @transform_6(%arg0: i32) -> (i32, i32) {
    %c0_i32 = arith.constant 0 : i32
    %c0_i32_0 = arith.constant 0 : i32
    %c0_i32_1 = arith.constant 0 : i32
    return %c0_i32, %c0_i32_0 : i32, i32
  }
  func.func @transform_7(%arg0: i32) -> (i32, i32) {
    %c0_i32 = arith.constant 0 : i32
    %c0_i32_0 = arith.constant 0 : i32
    %c0_i32_1 = arith.constant 0 : i32
    return %c0_i32, %c0_i32_0 : i32, i32
  }
  func.func @transform_8(%arg0: i32) -> (i32, i32) {
    %c0_i32 = arith.constant 0 : i32
    %c0_i32_0 = arith.constant 0 : i32
    %c0_i32_1 = arith.constant 0 : i32
    return %c0_i32, %c0_i32_0 : i32, i32
  }
  func.func @transform_9(%arg0: i32) -> (i32, i32) {
    %c0_i32 = arith.constant 0 : i32
    %c0_i32_0 = arith.constant 0 : i32
    %c0_i32_1 = arith.constant 0 : i32
    return %c0_i32, %c0_i32_0 : i32, i32
  }
  func.func @transform_10(%arg0: i32) -> (i32, i32) {
    %c0_i32 = arith.constant 0 : i32
    %c0_i32_0 = arith.constant 0 : i32
    %c0_i32_1 = arith.constant 0 : i32
    return %c0_i32, %c0_i32_0 : i32, i32
  }
  func.func @transform_11(%arg0: i32) -> (i32, i32) {
    %c0_i32 = arith.constant 0 : i32
    %c0_i32_0 = arith.constant 0 : i32
    %c0_i32_1 = arith.constant 0 : i32
    return %c0_i32, %c0_i32_0 : i32, i32
  }
  func.func @transform_12(%arg0: i32) -> (i32, i32) {
    %c0_i32 = arith.constant 0 : i32
    %c0_i32_0 = arith.constant 0 : i32
    %c0_i32_1 = arith.constant 0 : i32
    return %c0_i32, %c0_i32_0 : i32, i32
  }
  func.func @transform_13(%arg0: i32) -> (i32, i32) {
    %c0_i32 = arith.constant 0 : i32
    %c0_i32_0 = arith.constant 0 : i32
    %c0_i32_1 = arith.constant 0 : i32
    return %c0_i32, %c0_i32_0 : i32, i32
  }
  func.func @transform_14(%arg0: i32) -> (i32, i32) {
    %c0_i32 = arith.constant 0 : i32
    %c0_i32_0 = arith.constant 0 : i32
    return %arg0, %c0_i32 : i32, i32
  }
}

</mosaic_0001>

<sc_bundles>
// kernel: kernel.5.cloned.1.call-start
scs
__scs_entry_jumppad:
0x0: {  	(pc) =	sbr.rel $0x88, $3  }
0x1: {  	(tag) =	ssettag $0x0;
	lr =	simm.s32 $0x1  }
0x2: {  	[smem:$0x3F95] =	sst lr;
	_ =	strace $0xD0000000  }
0x3: {  	_ = 	snop  }
0x4: {  	_ = 	snop  }
0x5: {  	_ = 	snop  }
0x6: {  	_ = 	snop  }
0x7: {  	_ = 	snop  }
__scs_overlays_trampoline_lowered:
0x8: {  	[smem:$0x3FA4] =	sst s0  }
0x9: {  	[smem:$0x3FA5] =	sst s1  }
0xa: {  	[smem:$0x3FA6] =	sst s2  }
0xb: {  	[smem:$0x3FA7] =	sst s3  }
0xc: {  	[smem:$0x3FA8] =	sst s4  }
0xd: {  	[smem:$0x3FA9] =	sst s5  }
0xe: {  	[smem:$0x3FAA] =	sst s6  }
0xf: {  	[smem:$0x3FAB] =	sst s7  }
0x10: {  	[smem:$0x3FAC] =	sst s8  }
0x11: {  	[smem:$0x3FAD] =	sst s9;
	s0 =	simm.s32 @!p0 $0x0  }
0x12: {  	s1 =	sld [smem:$0x3F93];
	s0 =	simm.s32 @p0 $0x1  }
0x13: {  	[smem:$0x3FAE] =	sst s0;
	s0 =	simm.s32 @!p1 $0x0  }
0x14: {  	s2 =	sld [smem:$0x3F92];
	s0 =	simm.s32 @p1 $0x1  }
0x15: {  	[smem:$0x3FAF] =	sst s0;
	s0 =	simm.s32 @!p2 $0x0  }
0x16: {  	s3 =	sld [smem:$0x3FDB];
	s0 =	simm.s32 @p2 $0x1  }
0x17: {  	s4 =	simm.s32 $0x1BF5;
	[smem:$0x3FB1] =	sst s0  }
0x18: {  	s0 =	sld [smem:$0x3F94];
	_ =	swait.ge [sflag:s4], $0x0  }
0x19: {  	s7 =	sld [smem:$0x3F95]  }
0x1a: {  	s8 =	sadd.s32 $0xFFFFE003, lr  }
0x1b: {  	s9 =	sadd.s32 $0xFFFFFEF7, lr;
	s5 =	simm.s32 $0xFFFFFFFF;
	p2 =	slt.u32 s8, $0xFFFFF086  }
0x1c: {  	p1 =	slt.u32 s9, $0xF7A;
	s5 =	simm.s32 @!p2 $0x0  }
0x1d: {  	s5 =	simm.s32 @p1 $0x1;
	p0 =	seq.s32 s7, s2  }
0x1e: {  	s7 =	smul.u32 @!p0 $0xF7A, s2;
	p2 =	seq.s32 @!p0 s5, $0x0  }
0x1f: {  	s9 =	smul.u32 $0xF7A, s1;
	s8 =	simm.s32 @!p0 $0x1BF5;
	p2 =	por !p2, p0  }
0x20: {  	[sflag:s8] =	ssyncset.s32 @!p0 $0xFFFFF086;
	s6 =	sadd.s32 @!p0 s3, s7;
	s7 =	simm.s32 @!p0 $0x108  }
0x21: {  	s3 =	sadd.s32 s3, s9;
	s6 =	sadd.s32 @!p0 $0x88, s6;
	s7 =	simm.s32 @p2 $0x1082  }
0x22: {  	[simem:s7], [sflag:s8] =	dma.local @!p0 [hbm:s6], $0xF7A  }
0x23: {  	s9 =	sor.u32 $0xD0000000, s2;
	s6 =	simm.s32 $0x108;
	_ =	swait.ge @!p0 [sflag:s8], $0x0  }
0x24: {  	s3 =	sadd.s32 $0x88, s3;
	s6 =	simm.s32 @!p1 $0x1082;
	[sflag:s4] =	ssyncset.s32 $0xFFFFF086  }
0x25: {  	[simem:s6], [sflag:s4] =	dma.local [hbm:s3], $0xF7A  }
0x26: {  	[smem:$0x3F95] =	sst s1;
	(tag) =	ssettag s2;
	_ =	strace s9  }
0x27: {  	s1 =	sld [smem:$0x3FA5]  }
0x28: {  	s2 =	sld [smem:$0x3FA6]  }
0x29: {  	s4 =	sld [smem:$0x3FA8]  }
0x2a: {  	p0 =	seq.s32 s5, $0x0;
	s5 =	sld [smem:$0x3FA9]  }
0x2b: {  	s6 =	sld [smem:$0x3FAA]  }
0x2c: {  	s7 =	sld [smem:$0x3FAB]  }
0x2d: {  	s3 =	simm.s32 $0x108;
	s8 =	sld [smem:$0x3FAC]  }
0x2e: {  	s3 =	simm.s32 @!p0 $0x1082;
	s9 =	sld [smem:$0x3FAD]  }
0x2f: {  	lr =	sadd.s32 s0, s3;
	s0 =	sld [smem:$0x3FA4]  }
0x30: {  	s3 =	sld [smem:$0x3FA7]  }
0x31: {  	[smem:$0x3FB0] =	sst s10  }
0x32: {  	s10 =	sld [smem:$0x3FAE];
	_ =	sdelay $0x3  }
0x33: {  	p0 =	seq.s32 s10, $0x1;
	s10 =	sld [smem:$0x3FB0];
	_ =	sdelay $0x3  }
0x34: {  	[smem:$0x3FB0] =	sst s10  }
0x35: {  	s10 =	sld [smem:$0x3FAF];
	_ =	sdelay $0x3  }
0x36: {  	p1 =	seq.s32 s10, $0x1;
	s10 =	sld [smem:$0x3FB0];
	_ =	sdelay $0x3  }
0x37: {  	[smem:$0x3FB0] =	sst s10  }
0x38: {  	s10 =	sld [smem:$0x3FB1]  }
0x39: {  	_ = 	snop;
	(pc) =	sbr.ind lr, $3  }
0x3a: {  	_ = 	snop  }
0x3b: {  	_ = 	snop  }
0x3c: {  	p2 =	seq.s32 s10, $0x1;
	s10 =	sld [smem:$0x3FB0]  }
0x3d: {  	_ =	shalt  }
0x3e: {  	_ =	shalt  }
0x3f: {  	_ =	shalt  }
0x40: {  	_ =	shalt  }
0x41: {  	_ =	shalt  }
0x42: {  	_ =	shalt  }
0x43: {  	_ =	shalt  }
0x44: {  	_ =	shalt  }
0x45: {  	_ =	shalt  }
0x46: {  	_ =	shalt  }
0x47: {  	_ =	shalt  }
0x48: {  	_ =	shalt  }
0x49: {  	_ =	shalt  }
0x4a: {  	_ =	shalt  }
0x4b: {  	_ =	shalt  }
0x4c: {  	_ =	shalt  }
0x4d: {  	_ =	shalt  }
0x4e: {  	_ =	shalt  }
0x4f: {  	_ =	shalt  }
0x50: {  	_ =	shalt  }
0x51: {  	_ =	shalt  }
0x52: {  	_ =	shalt  }
0x53: {  	_ =	shalt  }
0x54: {  	_ =	shalt  }
0x55: {  	_ =	shalt  }
0x56: {  	_ =	shalt  }
0x57: {  	_ =	shalt  }
0x58: {  	_ =	shalt  }
0x59: {  	_ =	shalt  }
0x5a: {  	_ =	shalt  }
0x5b: {  	_ =	shalt  }
0x5c: {  	_ =	shalt  }
0x5d: {  	_ =	shalt  }
0x5e: {  	_ =	shalt  }
0x5f: {  	_ =	shalt  }
0x60: {  	_ =	shalt  }
0x61: {  	_ =	shalt  }
0x62: {  	_ =	shalt  }
0x63: {  	_ =	shalt  }
0x64: {  	_ =	shalt  }
0x65: {  	_ =	shalt  }
0x66: {  	_ =	shalt  }
0x67: {  	_ =	shalt  }
0x68: {  	_ =	shalt  }
0x69: {  	_ =	shalt  }
0x6a: {  	_ =	shalt  }
0x6b: {  	_ =	shalt  }
0x6c: {  	_ =	shalt  }
0x6d: {  	_ =	shalt  }
0x6e: {  	_ =	shalt  }
0x6f: {  	_ =	shalt  }
0x70: {  	_ =	shalt  }
0x71: {  	_ =	shalt  }
0x72: {  	_ =	shalt  }
0x73: {  	_ =	shalt  }
0x74: {  	_ =	shalt  }
0x75: {  	_ =	shalt  }
0x76: {  	_ =	shalt  }
0x77: {  	_ =	shalt  }
0x78: {  	_ =	shalt  }
0x79: {  	_ =	shalt  }
0x7a: {  	_ =	shalt  }
0x7b: {  	_ =	shalt  }
0x7c: {  	_ =	shalt  }
0x7d: {  	_ =	shalt  }
0x7e: {  	_ =	shalt  }
0x7f: {  	_ =	shalt  }
0x80: {  	_ =	shalt  }
0x81: {  	_ =	shalt  }
0x82: {  	_ =	shalt  }
0x83: {  	_ =	shalt  }
0x84: {  	_ =	shalt  }
0x85: {  	_ =	shalt  }
0x86: {  	_ =	shalt  }
0x87: {  	_ =	shalt  }
.Lfunc_end0:
.L_simem_size_0:
called_computation_lowered:
.L_overlay_start_0:
0x88: {  	s2 =	sld [smem:$0x3FD9]  }
0x89: {  	s3 =	sld [smem:$0x3FFE];
	_ =	sdelay $0x1  }
0x8a: {  	s1 =	srdreg.scid  }
0x8b: {  	s0 =	sand.u32 $0x1, s1  }
0x8c: {  	s17 =	sshll.u32 s0, $0xA;
	s2 =	sadd.s32 s3, s2  }
0x8d: {  	s2 =	sadd.s32 s2, s17  }
0x8e: {  	[smem:$0x3FBC] =	sst s2  }
0x8f: {  	_ = 	snop  }
0x90: {  	s2 =	sld [smem:$0x3FD0];
	(tm) =	ssettm $0x1  }
0x91: {  	s18 =	sld [smem:$0x3FFB];
	_ =	sdelay $0x3  }
0x92: {  	_ =	strace s18  }
0x93: {  	s3 =	sld [smem:$0x3FFC];
	_ =	sdelay $0x3  }
0x94: {  	_ =	strace s3  }
0x95: {  	s3 =	sld [smem:$0x3FFD];
	_ =	sdelay $0x3  }
0x96: {  	_ =	strace s3  }
0x97: {  	_ =	strace $0x8FFFFFFF  }
0x98: {  	s19 =	sld [smem:$0x3FDB];
	_ =	sdelay $0x1  }
0x99: {  	s4 =	simm.s32 $_scs_section_size  }
0x9a: {  	s5 =	simm.s32 $_size__tile_overlayer_lowered;
	s6 =	simm.s32 $_tile_overlayer_lowered  }
0x9b: {  	s22 =	simm.s32 $0x1BFF;
	s21 =	sshll.u32 s6, $0x1;
	s3 =	sadd.s32 s4, s19  }
0x9c: {  	s7 =	simm.s32 $0x0;
	s20 =	sshll.u32 s5, $0x1;
	s5 =	sadd.s32 s21, s3  }
0x9d: {  	[timem:s7], [sflag:s22] =	dma.local [hbm:s5], s20  }
0x9e: {  	_ =	swait.ge [sflag:s22], s20  }
0x9f: {  	s4 =	ssub.s32 $0x0, s20;
	[sflag:s22] =	ssyncset.done $0x0  }
0xa0: {  	[sflag:s22] =	ssyncadd.s32 s4;
	_ =	sdelay $0x1  }
0xa1: {  	s23 =	simm.s32 $0x1B8B  }
0xa2: {  	_ =	swait.ge [sflag:s23], $0x1  }
0xa3: {  	[sflag:s23] =	ssyncset.done $0x0  }
0xa4: {  	s25 =	simm.s32 $0x1B8E;
	s24 =	sld [smem:$0x3FFE];
	[sflag:s23] =	ssyncadd.s32 $0xFFFFFFFF  }
0xa5: {  	s26 =	simm.s32 $execute0_lowered;
	[smem:$0x3FD2] =	sst s25  }
0xa6: {  	s5 =	sshll.u32 s26, $0x1;
	_ =	strace $0x80000046;
	[dreg:$0x1] =	wrdreg $0xFFFFFFFF  }
0xa7: {  	s28 =	simm.s32 $_size_execute0_lowered;
	s3 =	sadd.s32 s3, s5;
	[dreg:$0x0] =	wrdreg $0x0  }
0xa8: {  	s5 =	sshll.u32 s28, $0x1;
	[dreg:$0x2] =	wrdreg s3  }
0xa9: {  	[dreg:$0x3] =	wrdreg s5  }
0xaa: {  	[dreg:$0x4] =	wrdreg $0xC0  }
0xab: {  	_ =	task [dreg:s7], $0x5FFFF  }
0xac: {  	[dreg:$0x1] =	wrdreg $0xFFFFFFFF  }
0xad: {  	[dreg:$0x0] =	wrdreg $0x60  }
0xae: {  	[dreg:$0x2] =	wrdreg s2  }
0xaf: {  	[dreg:$0x3] =	wrdreg s24  }
0xb0: {  	[dreg:$0x4] =	wrdreg $0x44000  }
0xb1: {  	[dreg:$0x5] =	wrdreg $0x9  }
0xb2: {  	_ =	task.clear_ibuf [dreg:s7], $0x6FFFF;
	_ =	strace $0x90000046  }
0xb3: {  	s29 =	simm.s32 $0x9;
	_ =	strace $0x80000048  }
0xb4: {  	_ =	swait.ge [sflag:s29], $0x1  }
0xb5: {  	[sflag:s29] =	ssyncadd.s32 $0xFFFFFFFF  }
0xb6: {  	_ =	strace $0x90000048  }
0xb7: {  	_ =	sfence  }
0xb8: {  	s30 =	sld [smem:$0x0];
	_ =	sdelay $0x2  }
0xb9: {  	s31 =	sshll.u32 s1, $0xD;
	s1 =	sshrl.u32 s1, $0x2  }
0xba: {  	s3 =	sand.u32 $0x4000, s31;
	s1 =	sadd.s32 s1, s30  }
0xbb: {  	s0 =	sor.u32 s3, s0;
	s1 =	sshll.u32 s1, $0x11  }
0xbc: {  	s0 =	sor.u32 s1, s0  }
0xbd: {  	s0 =	sadd.s32 $0x8F2B, s0  }
0xbe: {  	[sflag:s0] =	ssyncadd.remote.s32 $0x1  }
0xbf: {  	_ =	sfence.sel $0xFFFF  }
0xc0: {  	[dreg:$0x0] =	wrdreg $0xFFFFFFFF;
	(pc) =	sbr.abs _section_cstart, $3  }
0xc1: {  	[dreg:$0x1] =	wrdreg $0xFFFFFFFF  }
0xc2: {  	_ =	task.clear_ibuf [dreg:s7], $0x2FFFF;
	_ =	strace $0x9FFFFFFF  }
0xc3: {  	(tm) =	ssettm $0x7FFFFFFF  }
tec
execute0_lowered:
.L_overlay_start_1:
0x0: {  	(tag) =	ssettag $0x1  }
0x1: {  	s0 =	rddreg [dreg:$0x0]  }
0x2: {  	s1 =	srdreg.scid;
	s5 =	rddreg [dreg:$0x1]  }
0x3: {  	s11 =	stileid.u32;
	s2 =	rddreg [dreg:$0x2];
	s16 =	simm.s32 $0x400  }
0x4: {  	s17 =	simm.s32 $0x3;
	s28 =	simm.s32 $0x280;
	s4 =	smul.u32 $0x61, s11  }
0x5: {  	s29 =	simm.s32 $0x2C00;
	s30 =	simm.s32 $0x300;
	s18 =	smul.u32 $0x61C00, s11  }
0x6: {  	s31 =	simm.s32 $0x3400;
	s1 =	sand.u32 $0x1, s1;
	s12 =	smul.u32 $0x18700, s11  }
0x7: {  	s3 =	sshll.u32 s1, $0x4;
	s6 =	smul.u32 $0x610, s1;
	s9 =	ssub.s32 $0x2, s1  }
0x8: {  	p0 =	seq.s32 s1, $0x1;
	s1 =	simm.s32 $0x33000;
	s7 =	sor.u32 s11, s3  }
0x9: {  	s3 =	simm.s32 $0x0;
	s10 =	sshrl.u32 s9, $0x1;
	s1 =	simm.s32 @!p0 $0x2200  }
0xa: {  	s11 =	simm.s32 $0x62;
	s25 =	sshrl.u32 s12, $0x3;
	s8 =	smin.u32 s7, $0x15  }
0xb: {  	s4 =	sadd.s32 s4, s6;
	[smem:$0x7FF] =	sst s3;
	s9 =	ssub.s32 s9, s10  }
0xc: {  	p0 =	slt.u32 s7, $0x15;
	s1 =	sadd.s32 s1, s5;
	s6 =	sadd.s32 s8, s4  }
0xd: {  	_ =	strace $0x80000047;
	s4 =	sshrl.u32 s18, $0x2;
	s11 =	simm.s32 @!p0 $0x61  }
0xe: {  	s13 =	sadd.s32 s1, s25;
	s18 =	simm.s32 $0x1;
	s25 =	simm.s32 $0x200  }
0xf: {  	s1 =	simm.s32 $0x380;
	s8 =	sshll.u32 s6, $0xB;
	s19 =	sadd.s32 s4, s2  }
0x10: {  	s4 =	sadd.s32 s12, s2;
	s12 =	smax.u32 s9, $0x1;
	s26 =	sshll.u32 s6, $0x7  }
0x11: {  	s6 =	simm.s32 $0x0;
	s8 =	sadd.s32 s8, s5;
	s20 =	sadd.s32 $0x4000, s19  }
0x12: {  	s21 =	sadd.s32 $0x8000, s19;
	s22 =	sadd.s32 $0xC000, s19;
	[dreg:$0x4] =	wrdreg s20  }
0x13: {  	s23 =	sadd.s32 $0x10000, s19;
	s24 =	sadd.s32 $0x14000, s19;
	[dreg:$0x5] =	wrdreg s21  }
0x14: {  	s10 =	sadd.s32 $0x18000, s19;
	s9 =	sadd.s32 s26, s0;
	[dreg:$0x6] =	wrdreg s22  }
0x15: {  	s19 =	simm.s32 $0x80;
	s26 =	simm.s32 $0x2400;
	[dreg:$0x7] =	wrdreg s23  }
0x16: {  	s0 =	simm.s32 $0x3C00;
	s5 =	simm.s32 $0x2;
	[dreg:$0x8] =	wrdreg s24  }
0x17: {  	s8 =	sadd.s32 $0x30D6200, s8;
	s20 =	simm.s32 $0xC00;
	s21 =	simm.s32 $0x100  }
0x18: {  	v0 =	vimm.f32 $0.0e+00;
	s22 =	simm.s32 $0x1400;
	s23 =	simm.s32 $0x180;
	s24 =	simm.s32 $0x1C00  }
.LBB2_1:
0x19: {  	s7 =	simm.s32 $0x40;
	s14 =	simm.s32 $0x0  }
.LBB2_2:
0x1a: {  	p0 =	sne.s32 s7, $0xFFC0;
	[tilespmem:s14+$0x400] =	vst v0;
	s14 =	smov.u32 s7;
	s7 =	sadd.s32 $0x40, s7  }
.Ltmp0:
0x1b: {  	(pc) =	sbr.rel @p0 .LBB2_2-.Ltmp0, $2  }
0x1c: {  	_ =	sdelay $0x2  }
0x1d: {  	s14 =	sshra.s32 s14, $0x2  }
0x1e: {  	[tilespmem:s14+$0x400] =	vst v0  }
0x1f: {  	[spmem:s4] =	stream.linear.scatter [tilespmem:s16], [sflag:$0x3], $0x4000, $0x38;
	[tilespmem:$0x1CB00] =	vst v63  }
0x20: {  	_ =	swait.ge [sflag:s17], $0x4000  }
0x21: {  	[sflag:s17] =	ssyncset.done $0x0  }
0x22: {  	s7 =	rddreg [dreg:$0x4];
	[sflag:s17] =	ssyncadd.s32 $0xFFFFC000  }
0x23: {  	[spmem:s7] =	stream.linear.scatter [tilespmem:s16], [sflag:$0x3], $0x4000, $0x38;
	[tilespmem:$0x1CB00] =	vst v63  }
0x24: {  	_ =	swait.ge [sflag:s17], $0x4000  }
0x25: {  	[sflag:s17] =	ssyncset.done $0x0  }
0x26: {  	s14 =	rddreg [dreg:$0x5];
	[sflag:s17] =	ssyncadd.s32 $0xFFFFC000  }
0x27: {  	[spmem:s14] =	stream.linear.scatter [tilespmem:s16], [sflag:$0x3], $0x4000, $0x38;
	[tilespmem:$0x1CB00] =	vst v63  }
0x28: {  	_ =	swait.ge [sflag:s17], $0x4000  }
0x29: {  	[sflag:s17] =	ssyncset.done $0x0  }
0x2a: {  	s15 =	rddreg [dreg:$0x6];
	[sflag:s17] =	ssyncadd.s32 $0xFFFFC000  }
0x2b: {  	[spmem:s15] =	stream.linear.scatter [tilespmem:s16], [sflag:$0x3], $0x4000, $0x38;
	[tilespmem:$0x1CB00] =	vst v63  }
0x2c: {  	_ =	swait.ge [sflag:s17], $0x4000  }
0x2d: {  	[sflag:s17] =	ssyncset.done $0x0  }
0x2e: {  	s14 =	rddreg [dreg:$0x7];
	[sflag:s17] =	ssyncadd.s32 $0xFFFFC000  }
0x2f: {  	[spmem:s14] =	stream.linear.scatter [tilespmem:s16], [sflag:$0x3], $0x4000, $0x38;
	[tilespmem:$0x1CB00] =	vst v63  }
0x30: {  	_ =	swait.ge [sflag:s17], $0x4000  }
0x31: {  	[sflag:s17] =	ssyncset.done $0x0  }
0x32: {  	s15 =	rddreg [dreg:$0x8];
	[sflag:s17] =	ssyncadd.s32 $0xFFFFC000  }
0x33: {  	[spmem:s15] =	stream.linear.scatter [tilespmem:s16], [sflag:$0x3], $0x4000, $0x38;
	[tilespmem:$0x1CB00] =	vst v63  }
0x34: {  	_ =	swait.ge [sflag:s17], $0x4000  }
0x35: {  	[sflag:s17] =	ssyncset.done $0x0  }
0x36: {  	[sflag:s17] =	ssyncadd.s32 $0xFFFFC000  }
0x37: {  	[spmem:s10] =	stream.linear.scatter [tilespmem:s16], [sflag:$0x3], $0x700, $0x38;
	[tilespmem:$0x1CB00] =	vst v63  }
0x38: {  	_ =	swait.ge [sflag:s17], $0x700  }
0x39: {  	[sflag:s17] =	ssyncset.done $0x0  }
0x3a: {  	[sflag:s17] =	ssyncadd.s32 $0xFFFFF900  }
0x3b: {  	[bflag:$0x0] =	sbarrier.arrive $0xFFFF  }
0x3c: {  	[tilespmem:s3], [sflag:$0x1] =	stream.linear.gather [hbm4b:s9+s3], $0x400, $0x38;
	[tilespmem:$0x1CB00] =	vst v63  }
0x3d: {  	_ = 	snop  }
0x3e: {  	[tilespmem:s16], [sflag:$0x1] =	stream.linear.gather [hbm4b:s8+s3], $0x4000, $0x38;
	[tilespmem:$0x1CB00] =	vst v63  }
0x3f: {  	_ =	swait.ge [sflag:s18], $0x400  }
0x40: {  	[sflag:s18] =	ssyncset.done $0x0  }
0x41: {  	[sflag:s18] =	ssyncadd.s32 $0xFFFFFC00  }
0x42: {  	_ =	swait.ge [sflag:s18], $0x4000  }
0x43: {  	[sflag:s18] =	ssyncset.done $0x0  }
0x44: {  	[sflag:s18] =	ssyncadd.s32 $0xFFFFC000  }
0x45: {  	[spmem:s2] =	stream.indirect.scatter.add.f32 [tilespmem:s16], [sflag:$0x2], $0x10, s3, s19, $0xb8;
	[tilespmem:$0x1CB00] =	vst v63  }
0x46: {  	_ = 	snop  }
0x47: {  	[spmem:s2] =	stream.indirect.scatter.add.f32 [tilespmem:s20], [sflag:$0x2], $0x10, s19, s19, $0xb8;
	[tilespmem:$0x1CB00] =	vst v63  }
0x48: {  	_ = 	snop  }
0x49: {  	[spmem:s2] =	stream.indirect.scatter.add.f32 [tilespmem:s22], [sflag:$0x2], $0x10, s21, s19, $0xb8;
	[tilespmem:$0x1CB00] =	vst v63  }
0x4a: {  	_ = 	snop  }
0x4b: {  	[spmem:s2] =	stream.indirect.scatter.add.f32 [tilespmem:s24], [sflag:$0x2], $0x10, s23, s19, $0xb8;
	[tilespmem:$0x1CB00] =	vst v63  }
0x4c: {  	_ = 	snop  }
0x4d: {  	[spmem:s2] =	stream.indirect.scatter.add.f32 [tilespmem:s26], [sflag:$0x2], $0x10, s25, s19, $0xb8;
	[tilespmem:$0x1CB00] =	vst v63  }
0x4e: {  	_ = 	snop  }
0x4f: {  	[spmem:s2] =	stream.indirect.scatter.add.f32 [tilespmem:s29], [sflag:$0x2], $0x10, s28, s19, $0xb8;
	[tilespmem:$0x1CB00] =	vst v63  }
0x50: {  	_ = 	snop  }
0x51: {  	[spmem:s2] =	stream.indirect.scatter.add.f32 [tilespmem:s31], [sflag:$0x2], $0x10, s30, s19, $0xb8;
	[tilespmem:$0x1CB00] =	vst v63  }
0x52: {  	_ = 	snop  }
0x53: {  	[spmem:s2] =	stream.indirect.scatter.add.f32 [tilespmem:s0], [sflag:$0x2], $0x10, s1, s19, $0xb8;
	[tilespmem:$0x1CB00] =	vst v63  }
0x54: {  	_ =	swait.ge [sflag:s5], $0x800  }
0x55: {  	[sflag:s5] =	ssyncset.done $0x0  }
0x56: {  	[sflag:s5] =	ssyncadd.s32 $0xFFFFF800  }
0x57: {  	_ =	swait.ge [sflag:s5], $0x800  }
0x58: {  	[sflag:s5] =	ssyncset.done $0x0  }
0x59: {  	[sflag:s5] =	ssyncadd.s32 $0xFFFFF800  }
0x5a: {  	_ =	swait.ge [sflag:s5], $0x800  }
0x5b: {  	[sflag:s5] =	ssyncset.done $0x0  }
0x5c: {  	[sflag:s5] =	ssyncadd.s32 $0xFFFFF800  }
0x5d: {  	_ =	swait.ge [sflag:s5], $0x800  }
0x5e: {  	[sflag:s5] =	ssyncset.done $0x0  }
0x5f: {  	[sflag:s5] =	ssyncadd.s32 $0xFFFFF800  }
0x60: {  	_ =	swait.ge [sflag:s5], $0x800  }
0x61: {  	[sflag:s5] =	ssyncset.done $0x0  }
0x62: {  	[sflag:s5] =	ssyncadd.s32 $0xFFFFF800  }
0x63: {  	_ =	swait.ge [sflag:s5], $0x800  }
0x64: {  	[sflag:s5] =	ssyncset.done $0x0  }
0x65: {  	p0 =	sne.s32 s11, $0x1;
	[sflag:s5] =	ssyncadd.s32 $0xFFFFF800  }
.Ltmp1:
0x66: {  	_ =	swait.ge [sflag:s5], $0x800;
	(pc) =	sbr.rel @!p0 .LBB2_5-.Ltmp1, $4  }
0x67: {  	[sflag:s5] =	ssyncset.done $0x0  }
0x68: {  	[sflag:s5] =	ssyncadd.s32 $0xFFFFF800  }
0x69: {  	s7 =	sadd.s32 $0xFFFFFFFF, s11;
	_ =	swait.ge [sflag:s5], $0x800  }
0x6a: {  	s14 =	smov.u32 s8;
	s15 =	smov.u32 s9;
	[sflag:s5] =	ssyncset.done $0x0  }
.LBB2_4:
0x6b: {  	[sflag:s5] =	ssyncadd.s32 $0xFFFFF800;
	s14 =	sadd.s32 $0x800, s14;
	s15 =	sadd.s32 $0x80, s15  }
0x6c: {  	[tilespmem:s3], [sflag:$0x1] =	stream.linear.gather [hbm4b:s15+s3], $0x400, $0x38;
	[tilespmem:$0x1CB00] =	vst v63  }
0x6d: {  	p0 =	sne.s32 s7, $0x1;
	s7 =	sadd.s32 $0xFFFFFFFF, s7  }
0x6e: {  	[tilespmem:s16], [sflag:$0x1] =	stream.linear.gather [hbm4b:s14+s3], $0x4000, $0x38;
	[tilespmem:$0x1CB00] =	vst v63  }
0x6f: {  	_ =	swait.ge [sflag:s18], $0x400  }
0x70: {  	[sflag:s18] =	ssyncset.done $0x0  }
0x71: {  	[sflag:s18] =	ssyncadd.s32 $0xFFFFFC00  }
0x72: {  	_ =	swait.ge [sflag:s18], $0x4000  }
0x73: {  	[sflag:s18] =	ssyncset.done $0x0  }
0x74: {  	[sflag:s18] =	ssyncadd.s32 $0xFFFFC000  }
0x75: {  	[spmem:s2] =	stream.indirect.scatter.add.f32 [tilespmem:s16], [sflag:$0x2], $0x10, s3, s19, $0xb8;
	[tilespmem:$0x1CB00] =	vst v63  }
0x76: {  	_ = 	snop  }
0x77: {  	[spmem:s2] =	stream.indirect.scatter.add.f32 [tilespmem:s20], [sflag:$0x2], $0x10, s19, s19, $0xb8;
	[tilespmem:$0x1CB00] =	vst v63  }
0x78: {  	_ = 	snop  }
0x79: {  	[spmem:s2] =	stream.indirect.scatter.add.f32 [tilespmem:s22], [sflag:$0x2], $0x10, s21, s19, $0xb8;
	[tilespmem:$0x1CB00] =	vst v63  }
0x7a: {  	_ = 	snop  }
0x7b: {  	[spmem:s2] =	stream.indirect.scatter.add.f32 [tilespmem:s24], [sflag:$0x2], $0x10, s23, s19, $0xb8;
	[tilespmem:$0x1CB00] =	vst v63  }
0x7c: {  	_ = 	snop  }
0x7d: {  	[spmem:s2] =	stream.indirect.scatter.add.f32 [tilespmem:s26], [sflag:$0x2], $0x10, s25, s19, $0xb8;
	[tilespmem:$0x1CB00] =	vst v63  }
0x7e: {  	_ = 	snop  }
0x7f: {  	[spmem:s2] =	stream.indirect.scatter.add.f32 [tilespmem:s29], [sflag:$0x2], $0x10, s28, s19, $0xb8;
	[tilespmem:$0x1CB00] =	vst v63  }
0x80: {  	_ = 	snop  }
0x81: {  	[spmem:s2] =	stream.indirect.scatter.add.f32 [tilespmem:s31], [sflag:$0x2], $0x10, s30, s19, $0xb8;
	[tilespmem:$0x1CB00] =	vst v63  }
0x82: {  	_ = 	snop  }
0x83: {  	[spmem:s2] =	stream.indirect.scatter.add.f32 [tilespmem:s0], [sflag:$0x2], $0x10, s1, s19, $0xb8;
	[tilespmem:$0x1CB00] =	vst v63  }
0x84: {  	_ =	swait.ge [sflag:s5], $0x800  }
0x85: {  	[sflag:s5] =	ssyncset.done $0x0  }
0x86: {  	[sflag:s5] =	ssyncadd.s32 $0xFFFFF800  }
0x87: {  	_ =	swait.ge [sflag:s5], $0x800  }
0x88: {  	[sflag:s5] =	ssyncset.done $0x0  }
0x89: {  	[sflag:s5] =	ssyncadd.s32 $0xFFFFF800  }
0x8a: {  	_ =	swait.ge [sflag:s5], $0x800  }
0x8b: {  	[sflag:s5] =	ssyncset.done $0x0  }
0x8c: {  	[sflag:s5] =	ssyncadd.s32 $0xFFFFF800  }
0x8d: {  	_ =	swait.ge [sflag:s5], $0x800  }
0x8e: {  	[sflag:s5] =	ssyncset.done $0x0  }
0x8f: {  	[sflag:s5] =	ssyncadd.s32 $0xFFFFF800  }
0x90: {  	_ =	swait.ge [sflag:s5], $0x800  }
0x91: {  	[sflag:s5] =	ssyncset.done $0x0  }
0x92: {  	[sflag:s5] =	ssyncadd.s32 $0xFFFFF800  }
0x93: {  	_ =	swait.ge [sflag:s5], $0x800  }
0x94: {  	[sflag:s5] =	ssyncset.done $0x0  }
0x95: {  	[sflag:s5] =	ssyncadd.s32 $0xFFFFF800  }
.Ltmp2:
0x96: {  	_ =	swait.ge [sflag:s5], $0x800;
	(pc) =	sbr.rel @p0 .LBB2_4-.Ltmp2, $4  }
0x97: {  	[sflag:s5] =	ssyncset.done $0x0  }
0x98: {  	[sflag:s5] =	ssyncadd.s32 $0xFFFFF800  }
0x99: {  	_ =	swait.ge [sflag:s5], $0x800  }
0x9a: {  	[sflag:s5] =	ssyncset.done $0x0  }
.LBB2_5:
0x9b: {  	[sflag:s5] =	ssyncadd.s32 $0xFFFFF800;
	s7 =	stileid.u32;
	s6 =	sadd.s32 $0x1, s6  }
0x9c: {  	s14 =	sshrl.u32 s4, $0x3;
	s7 =	sshll.u32 s7, $0x6;
	p0 =	sne.s32 s6, s12  }
.Ltmp3:
0x9d: {  	[bflag:$0x0] =	sbarrier.arrive $0xFFFF;
	s7 =	sor.u32 $0x1C03, s7;
	(pc) =	sbr.rel @p0 .LBB2_1-.Ltmp3, $4  }
0x9e: {  	[hbm:s13], [sflag:s7] =	dma.local [spmem:s14], $0x30E0  }
0x9f: {  	_ =	swait.ge [sflag:s17], $0x30E0  }
0xa0: {  	[sflag:s17] =	ssyncset.done $0x0  }
0xa1: {  	[sflag:s17] =	ssyncadd.s32 $0xFFFFCF20  }
0xa2: {  	_ =	sfence.sel $0x180000  }
0xa3: {  	[bflag:$0x0] =	sbarrier.arrive $0xFFFF  }
0xa4: {  	_ =	strace $0x90000047  }
0xa5: {  	s0 =	stileid.u32;
	[bflag:$0x2] =	sbarrier.arrive $0xFFFF  }
0xa6: {  	p0 =	sne.s32 s0, $0x0;
	s0 =	rddreg [dreg:$0x3]  }
0xa7: {  	s0 =	sadd.s32 @!p0 $0x100000, s0  }
0xa8: {  	[sflag:s0] =	ssyncadd.tile.s32 @!p0 $0x1;
	_ =	shalt  }
.Lfunc_end2:
_tile_overlayer_lowered:
.L_overlay_start_2:
0xa9: {  	(tag) =	ssettag $0x2  }
0xaa: {  	s0 =	rddreg [dreg:$0x0];
	s2 =	stileid.u32  }
0xab: {  	s1 =	rddreg [dreg:$0x1];
	p0 =	sne.s32 s2, $0x0  }
0xac: {  	s3 =	rddreg [dreg:$0x2];
	[bflag:$0x3] =	sbarrier.arrive $0xFFFF;
	s2 =	simm.s32 @!p0 $0x1C03  }
0xad: {  	[timem:s3], [sflag:s2] =	dma.local @!p0 [hbm:s0], s1  }
0xae: {  	s0 =	simm.s32 @!p0 $0x3  }
0xaf: {  	_ =	swait.ge @!p0 [sflag:s0], s1  }
0xb0: {  	s1 =	ssub.s32 @!p0 $0x0, s1;
	[sflag:s0] =	ssyncset.done @!p0 $0x0  }
0xb1: {  	[sflag:s0] =	ssyncadd.s32 @!p0 s1  }
0xb2: {  	[bflag:$0x3] =	sbarrier.arrive $0xFFFF  }
0xb3: {  	_ =	shalt  }

</sc_bundles>
